<compile_context>
chip_gen: v7x
topology: tpu7x:2x2x1
jax: 0.10.2.dev20260603
libtpu: 0.0.44.dev20260713+nightly
codegen_flags: <defaults>
</compile_context>

<pallas_src>
import functools

import jax
import jax.numpy as jnp
from jax import lax
from jax.experimental import pallas as pl
from jax.experimental.pallas import tpu as pltpu
from jax.experimental.pallas import tpu_sc as plsc

NOISE_STD = 0.001
_NC = 2
_NS = 16
_NW = _NC * _NS



def _argmin_body(zsq_ref, dsq_ref, z_ref, d_ref, out_ref, *, k_chunk):
    zb = -2.0 * z_ref[...]
    zsq = zsq_ref[...]
    bn = zsq.shape[0]
    kp = d_ref.shape[0]
    nchunks = kp // k_chunk
    tpc = k_chunk // 128

    m_run = jnp.full((bn, 128), jnp.inf, jnp.float32)
    t_run = jnp.zeros((bn, 128), jnp.int32)
    for c in range(nchunks):
        db = d_ref[pl.ds(c * k_chunk, k_chunk), :]
        prod = jax.lax.dot_general(
            zb, db, (((1,), (1,)), ((), ())), preferred_element_type=jnp.float32
        )
        for t in range(tpc):
            g = c * tpc + t
            dist = (zsq + dsq_ref[:, pl.ds(g * 128, 128)]) + prod[
                :, t * 128:(t + 1) * 128
            ]
            better = dist < m_run
            m_run = jnp.where(better, dist, m_run)
            t_run = jnp.where(better, jnp.int32(g), t_run)

    mfin = jnp.min(m_run, axis=1, keepdims=True)
    col = t_run * 128 + jax.lax.broadcasted_iota(jnp.int32, (bn, 128), 1)
    cand = jnp.where(m_run == mfin, col, jnp.int32(2**30))
    out_ref[...] = jnp.min(cand, axis=1, keepdims=True)


def _argmin_call(zsq, dsq, z, dithered, *, bn=512, k_chunk=2048):
    n, d = z.shape
    kp = dithered.shape[0]
    return pl.pallas_call(
        functools.partial(_argmin_body, k_chunk=k_chunk),
        grid=(n // bn,),
        in_specs=[
            pl.BlockSpec((bn, 1), lambda i: (i, 0)),
            pl.BlockSpec((1, kp), lambda i: (0, 0)),
            pl.BlockSpec((bn, d), lambda i: (i, 0)),
            pl.BlockSpec((kp, d), lambda i: (0, 0)),
        ],
        out_specs=pl.BlockSpec((bn, 1), lambda i: (i, 0)),
        out_shape=jax.ShapeDtypeStruct((n, 1), jnp.int32),
    )(zsq, dsq, z, dithered)



def _sc_gather_call(idx, cb_packed, lam_tab):
    n = idx.shape[0]
    k, da = cb_packed.shape
    dl = lam_tab.shape[1]
    rw = n // _NW
    chunk = 128

    def body(idx_hbm, cb_hbm, lam_hbm, g1_hbm, g2_hbm, glam_hbm, counts_hbm,
             idx_v, idxp1_v, gbuf1, gbuf2, gbuf3, hist_v):
        cid = lax.axis_index("c")
        sid = lax.axis_index("s")
        wid = sid * _NC + cid
        base = wid * rw

        pltpu.sync_copy(idx_hbm.at[pl.ds(base, rw)], idx_v)

        def p1_body(j, _):
            v = idx_v[pl.ds(j * 16, 16)]
            idxp1_v[pl.ds(j * 16, 16)] = v + 1
            return 0

        lax.fori_loop(0, rw // 16, p1_body, 0)

        def z_body(j, _):
            hist_v[pl.ds(j * 16, 16)] = jnp.zeros((16,), jnp.float32)
            return 0

        lax.fori_loop(0, (k + 16) // 16, z_body, 0)

        one0 = jnp.where(
            lax.iota(jnp.int32, 16) == 0, jnp.float32(1.0), jnp.float32(0.0)
        )

        def h_body(j, _):
            v = idx_v[pl.ds(j * 16, 16)]
            for l in range(16):
                b = v[l]
                hist_v[pl.ds(b, 16)] = hist_v[pl.ds(b, 16)] + one0
            return 0

        lax.fori_loop(0, rw // 16, h_body, 0)
        pltpu.sync_copy(hist_v.at[pl.ds(0, k)], counts_hbm.at[wid])

        def g_body(t, _):
            sl_in = idx_v.at[pl.ds(t * chunk, chunk)]
            sl_p1 = idxp1_v.at[pl.ds(t * chunk, chunk)]
            sl_out = pl.ds(base + t * chunk, chunk)
            pltpu.sync_copy(cb_hbm.at[sl_in], gbuf1)
            pltpu.sync_copy(gbuf1, g1_hbm.at[sl_out])
            pltpu.sync_copy(cb_hbm.at[sl_p1], gbuf2)
            pltpu.sync_copy(gbuf2, g2_hbm.at[sl_out])
            pltpu.sync_copy(lam_hbm.at[sl_in], gbuf3)
            pltpu.sync_copy(gbuf3, glam_hbm.at[sl_out])
            return 0

        lax.fori_loop(0, rw // chunk, g_body, 0)

    mesh = plsc.VectorSubcoreMesh(
        core_axis_name="c", subcore_axis_name="s",
        num_cores=_NC, num_subcores=_NS,
    )
    fn = pl.kernel(
        body,
        out_type=[
            jax.ShapeDtypeStruct((n, da), jnp.int32),
            jax.ShapeDtypeStruct((n, da), jnp.int32),
            jax.ShapeDtypeStruct((n, dl), jnp.float32),
            jax.ShapeDtypeStruct((_NW, k), jnp.float32),
        ],
        mesh=mesh,
        scratch_types=[
            pltpu.VMEM((rw,), jnp.int32),
            pltpu.VMEM((rw,), jnp.int32),
            pltpu.VMEM((chunk, da), jnp.int32),
            pltpu.VMEM((chunk, da), jnp.int32),
            pltpu.VMEM((chunk, dl), jnp.float32),
            pltpu.VMEM((k + 16,), jnp.float32),
        ],
    )
    return fn(idx, cb_packed, lam_tab)



def _unpack_bf16_pair(gi):
    lo = jax.lax.bitcast_convert_type(gi << 16, jnp.float32)
    hi = jax.lax.bitcast_convert_type(gi & jnp.int32(-65536), jnp.float32)
    return jnp.concatenate([lo, hi], axis=1)


def _tail_body(counts_ref, z_ref, g1_ref, g2_ref, glam_ref, nz1_ref, nz2_ref,
               zq_ref, perp_ref, *, n_total, d):
    z = z_ref[...]
    lam = glam_ref[:, 0:1]
    cb1 = _unpack_bf16_pair(g1_ref[...])
    d1 = cb1 - z
    rv1 = nz1_ref[...] + d1
    nrm1 = jnp.sqrt(jnp.sum(rv1 * rv1, axis=1, keepdims=True))
    n1 = rv1 / jnp.maximum(nrm1, 1e-12)
    em1 = jnp.sqrt(jnp.sum(d1 * d1, axis=1, keepdims=True))
    cb2 = _unpack_bf16_pair(g2_ref[...])
    d2 = cb2 - z
    rv2 = nz2_ref[...] + d2
    nrm2 = jnp.sqrt(jnp.sum(rv2 * rv2, axis=1, keepdims=True))
    n2 = rv2 / jnp.maximum(nrm2, 1e-12)
    em2 = jnp.sqrt(jnp.sum(d2 * d2, axis=1, keepdims=True))
    zq_ref[...] = z + em1 * ((1.0 - lam) * n1) + em2 * (lam * n2)

    @pl.when(pl.program_id(0) == 0)
    def _():
        cr = counts_ref[...]
        c = jnp.sum(cr, axis=0, keepdims=True)
        p = c * (1.0 / n_total)
        ent = jnp.sum(p * jnp.log(p + 1e-10))
        perp_ref[...] = jnp.broadcast_to(jnp.exp(-ent), (1, 1))


def _tail_call(counts_raw, z, g1, g2, glam, nz1, nz2, *, bn=1024):
    n, d = z.shape
    dp = g1.shape[1]
    dl = glam.shape[1]
    nw, k = counts_raw.shape
    mat = lambda i: (i, 0)
    return pl.pallas_call(
        functools.partial(_tail_body, n_total=n, d=d),
        grid=(n // bn,),
        in_specs=[
            pl.BlockSpec((nw, k), lambda i: (0, 0)),
            pl.BlockSpec((bn, d), mat),
            pl.BlockSpec((bn, dp), mat),
            pl.BlockSpec((bn, dp), mat),
            pl.BlockSpec((bn, dl), mat),
            pl.BlockSpec((bn, d), mat),
            pl.BlockSpec((bn, d), mat),
        ],
        out_specs=[
            pl.BlockSpec((bn, d), mat),
            pl.BlockSpec((1, 1), lambda i: (0, 0)),
        ],
        out_shape=[
            jax.ShapeDtypeStruct((n, d), jnp.float32),
            jax.ShapeDtypeStruct((1, 1), jnp.float32),
        ],
    )(counts_raw, z, g1, g2, glam, nz1, nz2)



def kernel(z, codebook):
    n, d = z.shape
    k = codebook.shape[0]
    key = jax.random.key(42)
    kd, kn1, kn2 = jax.random.split(key, 3)
    dither = jax.random.uniform(kd, (k - 1, 1), dtype=jnp.float32)
    dithered = (1.0 - dither) * codebook[:-1] + dither * codebook[1:]

    zsq = jnp.sum(z**2, axis=1, keepdims=True)
    dsq = jnp.sum(dithered**2, axis=1)
    dpad = jnp.concatenate([dithered, jnp.zeros((1, d), jnp.float32)], axis=0)
    dsqp = jnp.concatenate([dsq, jnp.full((1,), 1e30, jnp.float32)])[None, :]

    indices = _argmin_call(zsq, dsqp, z, dpad)[:, 0]

    cb16 = jax.lax.bitcast_convert_type(
        codebook.astype(jnp.bfloat16), jnp.uint16
    ).astype(jnp.uint32)
    cb_packed = jax.lax.bitcast_convert_type(
        cb16[:, : d // 2] | (cb16[:, d // 2:] << 16), jnp.int32
    )
    dither_pad = jnp.concatenate([dither, jnp.zeros((1, 1), jnp.float32)])
    lam_tab = jnp.broadcast_to(dither_pad, (k, 128))
    g1, g2, glam, counts_raw = _sc_gather_call(indices, cb_packed, lam_tab)

    kn1d, kn2d, _ = lax.optimization_barrier((kn1, kn2, indices))
    noise1 = jax.random.normal(kn1d, z.shape, dtype=jnp.float32) * NOISE_STD
    noise2 = jax.random.normal(kn2d, z.shape, dtype=jnp.float32) * NOISE_STD
    z_q, perp = _tail_call(counts_raw, z, g1, g2, glam, noise1, noise2)
    return (z_q, indices, perp.reshape(()))

# --- scband reference (transcript-rebuilt; emitter-appended) ---
"""Pipeline reference for scband-sfdiveq-53017076302228 (READ-ONLY COPY).

The authoritative reference and input builder live on the scoring server;
editing this copy changes nothing except your own understanding.
"""

import jax, jax.numpy as jnp
import numpy as np

K = 8192
D = 256
N = 16384
NOISE_STD = 0.001

def setup_inputs(seed: int = 0) -> dict:
    key = jax.random.key(seed)
    kz, kcb = jax.random.split(key)
    z = jax.random.normal(kz, (N, D), dtype=jnp.float32)
    # uniform_init=True: codebook ~ U[0,1) * (1/K)
    codebook = jax.random.uniform(kcb, (K, D), dtype=jnp.float32) * (1.0 / K)
    return {"z": z, "codebook": codebook}

def reference(z, codebook):
    # skip_iters=1 so the quantization branch runs on the first forward call
    key = jax.random.key(42)
    kd, kn1, kn2 = jax.random.split(key, 3)
    # SF-DiVeQ dithered codebook: random points on segments between consecutive codewords
    dither = jax.random.uniform(kd, (K - 1, 1), dtype=jnp.float32)
    dithered = (1.0 - dither) * codebook[:-1] + dither * codebook[1:]
    distances = (jnp.sum(z ** 2, axis=1, keepdims=True)
                 + jnp.sum(dithered ** 2, axis=1)
                 - 2.0 * (z @ dithered.T))
    indices = jnp.argmin(distances, axis=1)
    cb_first = codebook[indices]
    cb_second = codebook[indices + 1]
    interp_lambda = dither[indices]  # (N, 1)
    noise1 = jax.random.normal(kn1, z.shape, dtype=jnp.float32) * NOISE_STD
    noise2 = jax.random.normal(kn2, z.shape, dtype=jnp.float32) * NOISE_STD
    direction_first = cb_first - z
    rv1 = noise1 + direction_first
    n1 = rv1 / jnp.clip(jnp.linalg.norm(rv1, axis=1, keepdims=True), 1e-12)
    direction_second = cb_second - z
    rv2 = noise2 + direction_second
    n2 = rv2 / jnp.clip(jnp.linalg.norm(rv2, axis=1, keepdims=True), 1e-12)
    em1 = jnp.linalg.norm(cb_first - z, axis=1, keepdims=True)
    em2 = jnp.linalg.norm(cb_second - z, axis=1, keepdims=True)
    vq_error1 = em1 * jax.lax.stop_gradient((1.0 - interp_lambda) * n1)
    vq_error2 = em2 * jax.lax.stop_gradient(interp_lambda * n2)
    z_q = z + vq_error1 + vq_error2
    counts = jnp.bincount(indices, length=K).astype(jnp.float32)
    probs = counts / z.shape[0]
    perplexity = jnp.exp(-jnp.sum(probs * jnp.log(probs + 1e-10)))
    return (z_q, indices, perplexity)

if __name__ == "__main__":
    import jax
    _d = setup_inputs()
    print(jax.jit(kernel)(*tuple(_d.values())))

</pallas_src>

<mosaic_0001>
#map = affine_map<(d0, d1) -> (0)>
#map1 = affine_map<(d0, d1) -> (0, 0)>
module attributes {stable_mosaic.version = 14 : i64} {
  func.func @body(%arg0: i32, %arg1: i32, %arg2: memref<16384xi32, #tpu.memory_space<hbm>>, %arg3: memref<8192x128xi32, #tpu.memory_space<hbm>>, %arg4: memref<8192x128xf32, #tpu.memory_space<hbm>>, %arg5: memref<16384x128xi32, #tpu.memory_space<hbm>>, %arg6: memref<16384x128xi32, #tpu.memory_space<hbm>>, %arg7: memref<16384x128xf32, #tpu.memory_space<hbm>>, %arg8: memref<32x8192xf32, #tpu.memory_space<hbm>>, %arg9: memref<512xi32, #tpu.memory_space<vmem>>, %arg10: memref<512xi32, #tpu.memory_space<vmem>>, %arg11: memref<128x128xi32, #tpu.memory_space<vmem>>, %arg12: memref<128x128xi32, #tpu.memory_space<vmem>>, %arg13: memref<128x128xf32, #tpu.memory_space<vmem>>, %arg14: memref<8208xf32, #tpu.memory_space<vmem>>) attributes {dimension_semantics = [#tpu.dimension_semantics<core_parallel>, #tpu.dimension_semantics<subcore_parallel>], iteration_bounds = array<i64: 2, 16>, scalar_prefetch = 0 : i64, scratch_operands = 6 : i64, tpu.core_type = #tpu.core_type<sc_vector_subcore>, window_params = [{transform_indices = #map}, {transform_indices = #map1}, {transform_indices = #map1}, {transform_indices = #map1}, {transform_indices = #map1}, {transform_indices = #map1}, {transform_indices = #map1}]} {
    %mul3A = arith.constant 2 : i32
    %mul3A_0 = arith.muli %arg1, %mul3A : i32
    %add3A = arith.addi %mul3A_0, %arg0 : i32
    %mul3A_1 = arith.constant 512 : i32
    %mul3A_2 = arith.muli %add3A, %mul3A_1 : i32
    "tpu.region"() ({
      %run_scoped3A = tpu.sem_alloc : memref<!tpu.dma_semaphore, #tpu.memory_space<semaphore_mem>>
      %dma_start3A = tpu.memref_slice %arg2[%mul3A_2] : memref<16384xi32, #tpu.memory_space<hbm>> -> memref<512xi32, #tpu.memory_space<hbm>>
      %dma_start3A_34 = tpu.memref_slice %arg2[%mul3A_2] : memref<16384xi32, #tpu.memory_space<hbm>> -> memref<512xi32, #tpu.memory_space<hbm>>
      tpu.enqueue_dma source(%dma_start3A_34 : memref<512xi32, #tpu.memory_space<hbm>>) target(%arg9 : memref<512xi32, #tpu.memory_space<vmem>>) target_semaphore(%run_scoped3A : memref<!tpu.dma_semaphore, #tpu.memory_space<semaphore_mem>>)
      %dma_wait3A = tpu.memref_slice %arg2[%mul3A_2] : memref<16384xi32, #tpu.memory_space<hbm>> -> memref<512xi32, #tpu.memory_space<hbm>>
      %dma_wait3A_35 = tpu.memref_slice %arg2[%mul3A_2] : memref<16384xi32, #tpu.memory_space<hbm>> -> memref<512xi32, #tpu.memory_space<hbm>>
      tpu.wait_dma2 semaphore(%run_scoped3A : memref<!tpu.dma_semaphore, #tpu.memory_space<semaphore_mem>>) src(%dma_wait3A_35 : memref<512xi32, #tpu.memory_space<hbm>>) dst(%arg9 : memref<512xi32, #tpu.memory_space<vmem>>)
      tpu.yield
    }) : () -> ()
    %scan3A = arith.constant 0 : i32
    %scan3A_3 = arith.constant 0 : i32
    %scan3A_4 = arith.constant 32 : i32
    %scan3A_5 = arith.addi %scan3A_3, %scan3A_4 : i32
    %scan3A_6 = arith.constant 1 : i32
    %scan3A_7 = scf.for %scan3A_34 = %scan3A_3 to %scan3A_5 step %scan3A_6 iter_args(%scan3A_35 = %scan3A) -> (i32)  : i32 {
      %mul3A_36 = arith.constant 16 : i32
      %mul3A_37 = arith.muli %scan3A_34, %mul3A_36 : i32
      %get3A = arith.index_cast %mul3A_37 : i32 to index
      %get3A_38 = tpu.vector_load %arg9[%get3A] {strides = array<i32>} : memref<512xi32, #tpu.memory_space<vmem>>, vector<16xi32>,
      %get3A_39 = vector.shape_cast %get3A_38 : vector<16xi32> to vector<16xi32>
      %add3A_40 = arith.constant 1 : i32
      %add3A_41 = vector.broadcast %add3A_40 : i32 to vector<16xi32>
      %add3A_42 = arith.addi %get3A_39, %add3A_41 : vector<16xi32>
      %mul3A_43 = arith.constant 16 : i32
      %mul3A_44 = arith.muli %scan3A_34, %mul3A_43 : i32
      %swap3A = arith.index_cast %mul3A_44 : i32 to index
      %swap3A_45 = tpu.vector_load %arg10[%swap3A] {strides = array<i32>} : memref<512xi32, #tpu.memory_space<vmem>>, vector<16xi32>,
      %swap3A_46 = vector.shape_cast %swap3A_45 : vector<16xi32> to vector<16xi32>
      %swap3A_47 = vector.shape_cast %add3A_42 : vector<16xi32> to vector<16xi32>
      tpu.vector_store %arg10[%swap3A], %swap3A_47 {strides = array<i32>} : memref<512xi32, #tpu.memory_space<vmem>>, vector<16xi32>,
      %scan3A_48 = arith.constant 0 : i32
      scf.yield %scan3A_48 : i32
    }
    %scan3A_8 = arith.constant 32 : i32
    %scan3A_9 = arith.constant 0 : i32
    %scan3A_10 = arith.constant 0 : i32
    %scan3A_11 = arith.constant 513 : i32
    %scan3A_12 = arith.addi %scan3A_10, %scan3A_11 : i32
    %scan3A_13 = arith.constant 1 : i32
    %scan3A_14 = scf.for %scan3A_34 = %scan3A_10 to %scan3A_12 step %scan3A_13 iter_args(%scan3A_35 = %scan3A_9) -> (i32)  : i32 {
      %broadcast_in_dim3A_36 = arith.constant 0.000000e+00 : f32
      %broadcast_in_dim3A_37 = vector.broadcast %broadcast_in_dim3A_36 : f32 to vector<16xf32>
      %mul3A_38 = arith.constant 16 : i32
      %mul3A_39 = arith.muli %scan3A_34, %mul3A_38 : i32
      %swap3A = arith.index_cast %mul3A_39 : i32 to index
      %swap3A_40 = tpu.vector_load %arg14[%swap3A] {strides = array<i32>} : memref<8208xf32, #tpu.memory_space<vmem>>, vector<16xf32>,
      %swap3A_41 = vector.shape_cast %swap3A_40 : vector<16xf32> to vector<16xf32>
      %swap3A_42 = vector.shape_cast %broadcast_in_dim3A_37 : vector<16xf32> to vector<16xf32>
      tpu.vector_store %arg14[%swap3A], %swap3A_42 {strides = array<i32>} : memref<8208xf32, #tpu.memory_space<vmem>>, vector<16xf32>,
      %scan3A_43 = arith.constant 0 : i32
      scf.yield %scan3A_43 : i32
    }
    %scan3A_15 = arith.constant 513 : i32
    %iota3A = tpu.iota {dimensions = array<i32: 0>} : vector<16xi32>
    %eq3A = arith.constant 0 : i32
    %eq3A_16 = vector.broadcast %eq3A : i32 to vector<16xi32>
    %eq3A_17 = arith.cmpi eq, %iota3A, %eq3A_16 : vector<16xi32>
    %jit3A = arith.constant 1.000000e+00 : f32
    %jit3A_18 = arith.constant 0.000000e+00 : f32
    %broadcast_in_dim3A = vector.broadcast %jit3A : f32 to vector<16xf32>
    %broadcast_in_dim3A_19 = vector.broadcast %jit3A_18 : f32 to vector<16xf32>
    %select_n3A = arith.select %eq3A_17, %broadcast_in_dim3A, %broadcast_in_dim3A_19 : vector<16xi1>, vector<16xf32>
    %scan3A_20 = arith.constant 0 : i32
    %scan3A_21 = arith.constant 0 : i32
    %scan3A_22 = arith.constant 32 : i32
    %scan3A_23 = arith.addi %scan3A_21, %scan3A_22 : i32
    %scan3A_24 = arith.constant 1 : i32
    %scan3A_25 = scf.for %scan3A_34 = %scan3A_21 to %scan3A_23 step %scan3A_24 iter_args(%scan3A_35 = %scan3A_20) -> (i32)  : i32 {
      %mul3A_36 = arith.constant 16 : i32
      %mul3A_37 = arith.muli %scan3A_34, %mul3A_36 : i32
      %get3A = arith.index_cast %mul3A_37 : i32 to index
      %get3A_38 = tpu.vector_load %arg9[%get3A] {strides = array<i32>} : memref<512xi32, #tpu.memory_space<vmem>>, vector<16xi32>,
      %get3A_39 = vector.shape_cast %get3A_38 : vector<16xi32> to vector<16xi32>
      %slice3A = vector.extract_strided_slice %get3A_39 {offsets = [0], sizes = [1], strides = [1]} : vector<16xi32> to vector<1xi32>
      %squeeze3A = vector.extract %slice3A[0] : i32 from vector<1xi32>
      %get3A_40 = arith.index_cast %squeeze3A : i32 to index
      %get3A_41 = tpu.vector_load %arg14[%get3A_40] {strides = array<i32>} : memref<8208xf32, #tpu.memory_space<vmem>>, vector<16xf32>,
      %get3A_42 = vector.shape_cast %get3A_41 : vector<16xf32> to vector<16xf32>
      %add3A_43 = arith.addf %get3A_42, %select_n3A : vector<16xf32>
      %swap3A = arith.index_cast %squeeze3A : i32 to index
      %swap3A_44 = tpu.vector_load %arg14[%swap3A] {strides = array<i32>} : memref<8208xf32, #tpu.memory_space<vmem>>, vector<16xf32>,
      %swap3A_45 = vector.shape_cast %swap3A_44 : vector<16xf32> to vector<16xf32>
      %swap3A_46 = vector.shape_cast %add3A_43 : vector<16xf32> to vector<16xf32>
      tpu.vector_store %arg14[%swap3A], %swap3A_46 {strides = array<i32>} : memref<8208xf32, #tpu.memory_space<vmem>>, vector<16xf32>,
      %slice3A_47 = vector.extract_strided_slice %get3A_39 {offsets = [1], sizes = [1], strides = [1]} : vector<16xi32> to vector<1xi32>
      %squeeze3A_48 = vector.extract %slice3A_47[0] : i32 from vector<1xi32>
      %get3A_49 = arith.index_cast %squeeze3A_48 : i32 to index
      %get3A_50 = tpu.vector_load %arg14[%get3A_49] {strides = array<i32>} : memref<8208xf32, #tpu.memory_space<vmem>>, vector<16xf32>,
      %get3A_51 = vector.shape_cast %get3A_50 : vector<16xf32> to vector<16xf32>
      %add3A_52 = arith.addf %get3A_51, %select_n3A : vector<16xf32>
      %swap3A_53 = arith.index_cast %squeeze3A_48 : i32 to index
      %swap3A_54 = tpu.vector_load %arg14[%swap3A_53] {strides = array<i32>} : memref<8208xf32, #tpu.memory_space<vmem>>, vector<16xf32>,
      %swap3A_55 = vector.shape_cast %swap3A_54 : vector<16xf32> to vector<16xf32>
      %swap3A_56 = vector.shape_cast %add3A_52 : vector<16xf32> to vector<16xf32>
      tpu.vector_store %arg14[%swap3A_53], %swap3A_56 {strides = array<i32>} : memref<8208xf32, #tpu.memory_space<vmem>>, vector<16xf32>,
      %slice3A_57 = vector.extract_strided_slice %get3A_39 {offsets = [2], sizes = [1], strides = [1]} : vector<16xi32> to vector<1xi32>
      %squeeze3A_58 = vector.extract %slice3A_57[0] : i32 from vector<1xi32>
      %get3A_59 = arith.index_cast %squeeze3A_58 : i32 to index
      %get3A_60 = tpu.vector_load %arg14[%get3A_59] {strides = array<i32>} : memref<8208xf32, #tpu.memory_space<vmem>>, vector<16xf32>,
      %get3A_61 = vector.shape_cast %get3A_60 : vector<16xf32> to vector<16xf32>
      %add3A_62 = arith.addf %get3A_61, %select_n3A : vector<16xf32>
      %swap3A_63 = arith.index_cast %squeeze3A_58 : i32 to index
      %swap3A_64 = tpu.vector_load %arg14[%swap3A_63] {strides = array<i32>} : memref<8208xf32, #tpu.memory_space<vmem>>, vector<16xf32>,
      %swap3A_65 = vector.shape_cast %swap3A_64 : vector<16xf32> to vector<16xf32>
      %swap3A_66 = vector.shape_cast %add3A_62 : vector<16xf32> to vector<16xf32>
      tpu.vector_store %arg14[%swap3A_63], %swap3A_66 {strides = array<i32>} : memref<8208xf32, #tpu.memory_space<vmem>>, vector<16xf32>,
      %slice3A_67 = vector.extract_strided_slice %get3A_39 {offsets = [3], sizes = [1], strides = [1]} : vector<16xi32> to vector<1xi32>
      %squeeze3A_68 = vector.extract %slice3A_67[0] : i32 from vector<1xi32>
      %get3A_69 = arith.index_cast %squeeze3A_68 : i32 to index
      %get3A_70 = tpu.vector_load %arg14[%get3A_69] {strides = array<i32>} : memref<8208xf32, #tpu.memory_space<vmem>>, vector<16xf32>,
      %get3A_71 = vector.shape_cast %get3A_70 : vector<16xf32> to vector<16xf32>
      %add3A_72 = arith.addf %get3A_71, %select_n3A : vector<16xf32>
      %swap3A_73 = arith.index_cast %squeeze3A_68 : i32 to index
      %swap3A_74 = tpu.vector_load %arg14[%swap3A_73] {strides = array<i32>} : memref<8208xf32, #tpu.memory_space<vmem>>, vector<16xf32>,
      %swap3A_75 = vector.shape_cast %swap3A_74 : vector<16xf32> to vector<16xf32>
      %swap3A_76 = vector.shape_cast %add3A_72 : vector<16xf32> to vector<16xf32>
      tpu.vector_store %arg14[%swap3A_73], %swap3A_76 {strides = array<i32>} : memref<8208xf32, #tpu.memory_space<vmem>>, vector<16xf32>,
      %slice3A_77 = vector.extract_strided_slice %get3A_39 {offsets = [4], sizes = [1], strides = [1]} : vector<16xi32> to vector<1xi32>
      %squeeze3A_78 = vector.extract %slice3A_77[0] : i32 from vector<1xi32>
      %get3A_79 = arith.index_cast %squeeze3A_78 : i32 to index
      %get3A_80 = tpu.vector_load %arg14[%get3A_79] {strides = array<i32>} : memref<8208xf32, #tpu.memory_space<vmem>>, vector<16xf32>,
      %get3A_81 = vector.shape_cast %get3A_80 : vector<16xf32> to vector<16xf32>
      %add3A_82 = arith.addf %get3A_81, %select_n3A : vector<16xf32>
      %swap3A_83 = arith.index_cast %squeeze3A_78 : i32 to index
      %swap3A_84 = tpu.vector_load %arg14[%swap3A_83] {strides = array<i32>} : memref<8208xf32, #tpu.memory_space<vmem>>, vector<16xf32>,
      %swap3A_85 = vector.shape_cast %swap3A_84 : vector<16xf32> to vector<16xf32>
      %swap3A_86 = vector.shape_cast %add3A_82 : vector<16xf32> to vector<16xf32>
      tpu.vector_store %arg14[%swap3A_83], %swap3A_86 {strides = array<i32>} : memref<8208xf32, #tpu.memory_space<vmem>>, vector<16xf32>,
      %slice3A_87 = vector.extract_strided_slice %get3A_39 {offsets = [5], sizes = [1], strides = [1]} : vector<16xi32> to vector<1xi32>
      %squeeze3A_88 = vector.extract %slice3A_87[0] : i32 from vector<1xi32>
      %get3A_89 = arith.index_cast %squeeze3A_88 : i32 to index
      %get3A_90 = tpu.vector_load %arg14[%get3A_89] {strides = array<i32>} : memref<8208xf32, #tpu.memory_space<vmem>>, vector<16xf32>,
      %get3A_91 = vector.shape_cast %get3A_90 : vector<16xf32> to vector<16xf32>
      %add3A_92 = arith.addf %get3A_91, %select_n3A : vector<16xf32>
      %swap3A_93 = arith.index_cast %squeeze3A_88 : i32 to index
      %swap3A_94 = tpu.vector_load %arg14[%swap3A_93] {strides = array<i32>} : memref<8208xf32, #tpu.memory_space<vmem>>, vector<16xf32>,
      %swap3A_95 = vector.shape_cast %swap3A_94 : vector<16xf32> to vector<16xf32>
      %swap3A_96 = vector.shape_cast %add3A_92 : vector<16xf32> to vector<16xf32>
      tpu.vector_store %arg14[%swap3A_93], %swap3A_96 {strides = array<i32>} : memref<8208xf32, #tpu.memory_space<vmem>>, vector<16xf32>,
      %slice3A_97 = vector.extract_strided_slice %get3A_39 {offsets = [6], sizes = [1], strides = [1]} : vector<16xi32> to vector<1xi32>
      %squeeze3A_98 = vector.extract %slice3A_97[0] : i32 from vector<1xi32>
      %get3A_99 = arith.index_cast %squeeze3A_98 : i32 to index
      %get3A_100 = tpu.vector_load %arg14[%get3A_99] {strides = array<i32>} : memref<8208xf32, #tpu.memory_space<vmem>>, vector<16xf32>,
      %get3A_101 = vector.shape_cast %get3A_100 : vector<16xf32> to vector<16xf32>
      %add3A_102 = arith.addf %get3A_101, %select_n3A : vector<16xf32>
      %swap3A_103 = arith.index_cast %squeeze3A_98 : i32 to index
      %swap3A_104 = tpu.vector_load %arg14[%swap3A_103] {strides = array<i32>} : memref<8208xf32, #tpu.memory_space<vmem>>, vector<16xf32>,
      %swap3A_105 = vector.shape_cast %swap3A_104 : vector<16xf32> to vector<16xf32>
      %swap3A_106 = vector.shape_cast %add3A_102 : vector<16xf32> to vector<16xf32>
      tpu.vector_store %arg14[%swap3A_103], %swap3A_106 {strides = array<i32>} : memref<8208xf32, #tpu.memory_space<vmem>>, vector<16xf32>,
      %slice3A_107 = vector.extract_strided_slice %get3A_39 {offsets = [7], sizes = [1], strides = [1]} : vector<16xi32> to vector<1xi32>
      %squeeze3A_108 = vector.extract %slice3A_107[0] : i32 from vector<1xi32>
      %get3A_109 = arith.index_cast %squeeze3A_108 : i32 to index
      %get3A_110 = tpu.vector_load %arg14[%get3A_109] {strides = array<i32>} : memref<8208xf32, #tpu.memory_space<vmem>>, vector<16xf32>,
      %get3A_111 = vector.shape_cast %get3A_110 : vector<16xf32> to vector<16xf32>
      %add3A_112 = arith.addf %get3A_111, %select_n3A : vector<16xf32>
      %swap3A_113 = arith.index_cast %squeeze3A_108 : i32 to index
      %swap3A_114 = tpu.vector_load %arg14[%swap3A_113] {strides = array<i32>} : memref<8208xf32, #tpu.memory_space<vmem>>, vector<16xf32>,
      %swap3A_115 = vector.shape_cast %swap3A_114 : vector<16xf32> to vector<16xf32>
      %swap3A_116 = vector.shape_cast %add3A_112 : vector<16xf32> to vector<16xf32>
      tpu.vector_store %arg14[%swap3A_113], %swap3A_116 {strides = array<i32>} : memref<8208xf32, #tpu.memory_space<vmem>>, vector<16xf32>,
      %slice3A_117 = vector.extract_strided_slice %get3A_39 {offsets = [8], sizes = [1], strides = [1]} : vector<16xi32> to vector<1xi32>
      %squeeze3A_118 = vector.extract %slice3A_117[0] : i32 from vector<1xi32>
      %get3A_119 = arith.index_cast %squeeze3A_118 : i32 to index
      %get3A_120 = tpu.vector_load %arg14[%get3A_119] {strides = array<i32>} : memref<8208xf32, #tpu.memory_space<vmem>>, vector<16xf32>,
      %get3A_121 = vector.shape_cast %get3A_120 : vector<16xf32> to vector<16xf32>
      %add3A_122 = arith.addf %get3A_121, %select_n3A : vector<16xf32>
      %swap3A_123 = arith.index_cast %squeeze3A_118 : i32 to index
      %swap3A_124 = tpu.vector_load %arg14[%swap3A_123] {strides = array<i32>} : memref<8208xf32, #tpu.memory_space<vmem>>, vector<16xf32>,
      %swap3A_125 = vector.shape_cast %swap3A_124 : vector<16xf32> to vector<16xf32>
      %swap3A_126 = vector.shape_cast %add3A_122 : vector<16xf32> to vector<16xf32>
      tpu.vector_store %arg14[%swap3A_123], %swap3A_126 {strides = array<i32>} : memref<8208xf32, #tpu.memory_space<vmem>>, vector<16xf32>,
      %slice3A_127 = vector.extract_strided_slice %get3A_39 {offsets = [9], sizes = [1], strides = [1]} : vector<16xi32> to vector<1xi32>
      %squeeze3A_128 = vector.extract %slice3A_127[0] : i32 from vector<1xi32>
      %get3A_129 = arith.index_cast %squeeze3A_128 : i32 to index
      %get3A_130 = tpu.vector_load %arg14[%get3A_129] {strides = array<i32>} : memref<8208xf32, #tpu.memory_space<vmem>>, vector<16xf32>,
      %get3A_131 = vector.shape_cast %get3A_130 : vector<16xf32> to vector<16xf32>
      %add3A_132 = arith.addf %get3A_131, %select_n3A : vector<16xf32>
      %swap3A_133 = arith.index_cast %squeeze3A_128 : i32 to index
      %swap3A_134 = tpu.vector_load %arg14[%swap3A_133] {strides = array<i32>} : memref<8208xf32, #tpu.memory_space<vmem>>, vector<16xf32>,
      %swap3A_135 = vector.shape_cast %swap3A_134 : vector<16xf32> to vector<16xf32>
      %swap3A_136 = vector.shape_cast %add3A_132 : vector<16xf32> to vector<16xf32>
      tpu.vector_store %arg14[%swap3A_133], %swap3A_136 {strides = array<i32>} : memref<8208xf32, #tpu.memory_space<vmem>>, vector<16xf32>,
      %slice3A_137 = vector.extract_strided_slice %get3A_39 {offsets = [10], sizes = [1], strides = [1]} : vector<16xi32> to vector<1xi32>
      %squeeze3A_138 = vector.extract %slice3A_137[0] : i32 from vector<1xi32>
      %get3A_139 = arith.index_cast %squeeze3A_138 : i32 to index
      %get3A_140 = tpu.vector_load %arg14[%get3A_139] {strides = array<i32>} : memref<8208xf32, #tpu.memory_space<vmem>>, vector<16xf32>,
      %get3A_141 = vector.shape_cast %get3A_140 : vector<16xf32> to vector<16xf32>
      %add3A_142 = arith.addf %get3A_141, %select_n3A : vector<16xf32>
      %swap3A_143 = arith.index_cast %squeeze3A_138 : i32 to index
      %swap3A_144 = tpu.vector_load %arg14[%swap3A_143] {strides = array<i32>} : memref<8208xf32, #tpu.memory_space<vmem>>, vector<16xf32>,
      %swap3A_145 = vector.shape_cast %swap3A_144 : vector<16xf32> to vector<16xf32>
      %swap3A_146 = vector.shape_cast %add3A_142 : vector<16xf32> to vector<16xf32>
      tpu.vector_store %arg14[%swap3A_143], %swap3A_146 {strides = array<i32>} : memref<8208xf32, #tpu.memory_space<vmem>>, vector<16xf32>,
      %slice3A_147 = vector.extract_strided_slice %get3A_39 {offsets = [11], sizes = [1], strides = [1]} : vector<16xi32> to vector<1xi32>
      %squeeze3A_148 = vector.extract %slice3A_147[0] : i32 from vector<1xi32>
      %get3A_149 = arith.index_cast %squeeze3A_148 : i32 to index
      %get3A_150 = tpu.vector_load %arg14[%get3A_149] {strides = array<i32>} : memref<8208xf32, #tpu.memory_space<vmem>>, vector<16xf32>,
      %get3A_151 = vector.shape_cast %get3A_150 : vector<16xf32> to vector<16xf32>
      %add3A_152 = arith.addf %get3A_151, %select_n3A : vector<16xf32>
      %swap3A_153 = arith.index_cast %squeeze3A_148 : i32 to index
      %swap3A_154 = tpu.vector_load %arg14[%swap3A_153] {strides = array<i32>} : memref<8208xf32, #tpu.memory_space<vmem>>, vector<16xf32>,
      %swap3A_155 = vector.shape_cast %swap3A_154 : vector<16xf32> to vector<16xf32>
      %swap3A_156 = vector.shape_cast %add3A_152 : vector<16xf32> to vector<16xf32>
      tpu.vector_store %arg14[%swap3A_153], %swap3A_156 {strides = array<i32>} : memref<8208xf32, #tpu.memory_space<vmem>>, vector<16xf32>,
      %slice3A_157 = vector.extract_strided_slice %get3A_39 {offsets = [12], sizes = [1], strides = [1]} : vector<16xi32> to vector<1xi32>
      %squeeze3A_158 = vector.extract %slice3A_157[0] : i32 from vector<1xi32>
      %get3A_159 = arith.index_cast %squeeze3A_158 : i32 to index
      %get3A_160 = tpu.vector_load %arg14[%get3A_159] {strides = array<i32>} : memref<8208xf32, #tpu.memory_space<vmem>>, vector<16xf32>,
      %get3A_161 = vector.shape_cast %get3A_160 : vector<16xf32> to vector<16xf32>
      %add3A_162 = arith.addf %get3A_161, %select_n3A : vector<16xf32>
      %swap3A_163 = arith.index_cast %squeeze3A_158 : i32 to index
      %swap3A_164 = tpu.vector_load %arg14[%swap3A_163] {strides = array<i32>} : memref<8208xf32, #tpu.memory_space<vmem>>, vector<16xf32>,
      %swap3A_165 = vector.shape_cast %swap3A_164 : vector<16xf32> to vector<16xf32>
      %swap3A_166 = vector.shape_cast %add3A_162 : vector<16xf32> to vector<16xf32>
      tpu.vector_store %arg14[%swap3A_163], %swap3A_166 {strides = array<i32>} : memref<8208xf32, #tpu.memory_space<vmem>>, vector<16xf32>,
      %slice3A_167 = vector.extract_strided_slice %get3A_39 {offsets = [13], sizes = [1], strides = [1]} : vector<16xi32> to vector<1xi32>
      %squeeze3A_168 = vector.extract %slice3A_167[0] : i32 from vector<1xi32>
      %get3A_169 = arith.index_cast %squeeze3A_168 : i32 to index
      %get3A_170 = tpu.vector_load %arg14[%get3A_169] {strides = array<i32>} : memref<8208xf32, #tpu.memory_space<vmem>>, vector<16xf32>,
      %get3A_171 = vector.shape_cast %get3A_170 : vector<16xf32> to vector<16xf32>
      %add3A_172 = arith.addf %get3A_171, %select_n3A : vector<16xf32>
      %swap3A_173 = arith.index_cast %squeeze3A_168 : i32 to index
      %swap3A_174 = tpu.vector_load %arg14[%swap3A_173] {strides = array<i32>} : memref<8208xf32, #tpu.memory_space<vmem>>, vector<16xf32>,
      %swap3A_175 = vector.shape_cast %swap3A_174 : vector<16xf32> to vector<16xf32>
      %swap3A_176 = vector.shape_cast %add3A_172 : vector<16xf32> to vector<16xf32>
      tpu.vector_store %arg14[%swap3A_173], %swap3A_176 {strides = array<i32>} : memref<8208xf32, #tpu.memory_space<vmem>>, vector<16xf32>,
      %slice3A_177 = vector.extract_strided_slice %get3A_39 {offsets = [14], sizes = [1], strides = [1]} : vector<16xi32> to vector<1xi32>
      %squeeze3A_178 = vector.extract %slice3A_177[0] : i32 from vector<1xi32>
      %get3A_179 = arith.index_cast %squeeze3A_178 : i32 to index
      %get3A_180 = tpu.vector_load %arg14[%get3A_179] {strides = array<i32>} : memref<8208xf32, #tpu.memory_space<vmem>>, vector<16xf32>,
      %get3A_181 = vector.shape_cast %get3A_180 : vector<16xf32> to vector<16xf32>
      %add3A_182 = arith.addf %get3A_181, %select_n3A : vector<16xf32>
      %swap3A_183 = arith.index_cast %squeeze3A_178 : i32 to index
      %swap3A_184 = tpu.vector_load %arg14[%swap3A_183] {strides = array<i32>} : memref<8208xf32, #tpu.memory_space<vmem>>, vector<16xf32>,
      %swap3A_185 = vector.shape_cast %swap3A_184 : vector<16xf32> to vector<16xf32>
      %swap3A_186 = vector.shape_cast %add3A_182 : vector<16xf32> to vector<16xf32>
      tpu.vector_store %arg14[%swap3A_183], %swap3A_186 {strides = array<i32>} : memref<8208xf32, #tpu.memory_space<vmem>>, vector<16xf32>,
      %slice3A_187 = vector.extract_strided_slice %get3A_39 {offsets = [15], sizes = [1], strides = [1]} : vector<16xi32> to vector<1xi32>
      %squeeze3A_188 = vector.extract %slice3A_187[0] : i32 from vector<1xi32>
      %get3A_189 = arith.index_cast %squeeze3A_188 : i32 to index
      %get3A_190 = tpu.vector_load %arg14[%get3A_189] {strides = array<i32>} : memref<8208xf32, #tpu.memory_space<vmem>>, vector<16xf32>,
      %get3A_191 = vector.shape_cast %get3A_190 : vector<16xf32> to vector<16xf32>
      %add3A_192 = arith.addf %get3A_191, %select_n3A : vector<16xf32>
      %swap3A_193 = arith.index_cast %squeeze3A_188 : i32 to index
      %swap3A_194 = tpu.vector_load %arg14[%swap3A_193] {strides = array<i32>} : memref<8208xf32, #tpu.memory_space<vmem>>, vector<16xf32>,
      %swap3A_195 = vector.shape_cast %swap3A_194 : vector<16xf32> to vector<16xf32>
      %swap3A_196 = vector.shape_cast %add3A_192 : vector<16xf32> to vector<16xf32>
      tpu.vector_store %arg14[%swap3A_193], %swap3A_196 {strides = array<i32>} : memref<8208xf32, #tpu.memory_space<vmem>>, vector<16xf32>,
      %scan3A_197 = arith.constant 0 : i32
      scf.yield %scan3A_197 : i32
    }
    %scan3A_26 = arith.constant 32 : i32
    "tpu.region"() ({
      %run_scoped3A = tpu.sem_alloc : memref<!tpu.dma_semaphore, #tpu.memory_space<semaphore_mem>>
      %dma_start3A = arith.constant 0 : i32
      %dma_start3A_34 = tpu.memref_slice %arg14[%dma_start3A] : memref<8208xf32, #tpu.memory_space<vmem>> -> memref<8192xf32, #tpu.memory_space<vmem>>
      %dma_start3A_35 = arith.constant 0 : i32
      %dma_start3A_36 = tpu.memref_slice %arg8[%add3A, %dma_start3A_35] : memref<32x8192xf32, #tpu.memory_space<hbm>> -> memref<1x8192xf32, #tpu.memory_space<hbm>>
      %dma_start3A_37 = tpu.memref_squeeze %dma_start3A_36 : memref<1x8192xf32, #tpu.memory_space<hbm>> -> memref<8192xf32, #tpu.memory_space<hbm>>
      %dma_start3A_38 = arith.constant 0 : i32
      %dma_start3A_39 = tpu.memref_slice %arg8[%add3A, %dma_start3A_38] : memref<32x8192xf32, #tpu.memory_space<hbm>> -> memref<1x8192xf32, #tpu.memory_space<hbm>>
      %dma_start3A_40 = tpu.memref_squeeze %dma_start3A_39 : memref<1x8192xf32, #tpu.memory_space<hbm>> -> memref<8192xf32, #tpu.memory_space<hbm>>
      %dma_start3A_41 = arith.constant 0 : i32
      %dma_start3A_42 = tpu.memref_slice %arg14[%dma_start3A_41] : memref<8208xf32, #tpu.memory_space<vmem>> -> memref<8192xf32, #tpu.memory_space<vmem>>
      tpu.enqueue_dma source(%dma_start3A_42 : memref<8192xf32, #tpu.memory_space<vmem>>) target(%dma_start3A_40 : memref<8192xf32, #tpu.memory_space<hbm>>) target_semaphore(%run_scoped3A : memref<!tpu.dma_semaphore, #tpu.memory_space<semaphore_mem>>)
      %dma_wait3A = arith.constant 0 : i32
      %dma_wait3A_43 = tpu.memref_slice %arg14[%dma_wait3A] : memref<8208xf32, #tpu.memory_space<vmem>> -> memref<8192xf32, #tpu.memory_space<vmem>>
      %dma_wait3A_44 = arith.constant 0 : i32
      %dma_wait3A_45 = tpu.memref_slice %arg8[%add3A, %dma_wait3A_44] : memref<32x8192xf32, #tpu.memory_space<hbm>> -> memref<1x8192xf32, #tpu.memory_space<hbm>>
      %dma_wait3A_46 = tpu.memref_squeeze %dma_wait3A_45 : memref<1x8192xf32, #tpu.memory_space<hbm>> -> memref<8192xf32, #tpu.memory_space<hbm>>
      %dma_wait3A_47 = arith.constant 0 : i32
      %dma_wait3A_48 = tpu.memref_slice %arg8[%add3A, %dma_wait3A_47] : memref<32x8192xf32, #tpu.memory_space<hbm>> -> memref<1x8192xf32, #tpu.memory_space<hbm>>
      %dma_wait3A_49 = tpu.memref_squeeze %dma_wait3A_48 : memref<1x8192xf32, #tpu.memory_space<hbm>> -> memref<8192xf32, #tpu.memory_space<hbm>>
      %dma_wait3A_50 = arith.constant 0 : i32
      %dma_wait3A_51 = tpu.memref_slice %arg14[%dma_wait3A_50] : memref<8208xf32, #tpu.memory_space<vmem>> -> memref<8192xf32, #tpu.memory_space<vmem>>
      tpu.wait_dma2 semaphore(%run_scoped3A : memref<!tpu.dma_semaphore, #tpu.memory_space<semaphore_mem>>) src(%dma_wait3A_51 : memref<8192xf32, #tpu.memory_space<vmem>>) dst(%dma_wait3A_49 : memref<8192xf32, #tpu.memory_space<hbm>>)
      tpu.yield
    }) : () -> ()
    %scan3A_27 = arith.constant 0 : i32
    %scan3A_28 = arith.constant 0 : i32
    %scan3A_29 = arith.constant 4 : i32
    %scan3A_30 = arith.addi %scan3A_28, %scan3A_29 : i32
    %scan3A_31 = arith.constant 1 : i32
    %scan3A_32 = scf.for %scan3A_34 = %scan3A_28 to %scan3A_30 step %scan3A_31 iter_args(%scan3A_35 = %scan3A_27) -> (i32)  : i32 {
      %mul3A_36 = arith.constant 128 : i32
      %mul3A_37 = arith.muli %scan3A_34, %mul3A_36 : i32
      %mul3A_38 = arith.constant 128 : i32
      %mul3A_39 = arith.muli %scan3A_34, %mul3A_38 : i32
      %mul3A_40 = arith.constant 128 : i32
      %mul3A_41 = arith.muli %scan3A_34, %mul3A_40 : i32
      %add3A_42 = arith.addi %mul3A_2, %mul3A_41 : i32
      "tpu.region"() ({
        %run_scoped3A = tpu.sem_alloc : memref<!tpu.dma_semaphore, #tpu.memory_space<semaphore_mem>>
        %dma_start3A = tpu.memref_slice %arg9[%mul3A_37] : memref<512xi32, #tpu.memory_space<vmem>> -> memref<128xi32, #tpu.memory_space<vmem>>
        %dma_start3A_44 = arith.constant 0 : i32
        %dma_start3A_45 = arith.constant 0 : i32
        %dma_start3A_46 = tpu.memref_slice %arg3[%dma_start3A_44, %dma_start3A_45] : memref<8192x128xi32, #tpu.memory_space<hbm>> -> memref<8192x128xi32, #tpu.memory_space<hbm>>
        tpu.enqueue_indirect_dma source(%dma_start3A_46 : memref<8192x128xi32, #tpu.memory_space<hbm>>) target(%arg11 : memref<128x128xi32, #tpu.memory_space<vmem>>) offsets(%dma_start3A : memref<128xi32, #tpu.memory_space<vmem>>) semaphore(%run_scoped3A : memref<!tpu.dma_semaphore, #tpu.memory_space<semaphore_mem>>)
        %dma_wait3A = tpu.memref_slice %arg9[%mul3A_37] : memref<512xi32, #tpu.memory_space<vmem>> -> memref<128xi32, #tpu.memory_space<vmem>>
        %dma_wait3A_47 = arith.constant 0 : i32
        %dma_wait3A_48 = arith.constant 0 : i32
        %dma_wait3A_49 = tpu.memref_slice %arg3[%dma_wait3A_47, %dma_wait3A_48] : memref<8192x128xi32, #tpu.memory_space<hbm>> -> memref<8192x128xi32, #tpu.memory_space<hbm>>
        tpu.wait_indirect_dma semaphore(%run_scoped3A : memref<!tpu.dma_semaphore, #tpu.memory_space<semaphore_mem>>) src(%dma_wait3A_49 : memref<8192x128xi32, #tpu.memory_space<hbm>>) dst(%arg11 : memref<128x128xi32, #tpu.memory_space<vmem>>)
        tpu.yield
      }) : () -> ()
      "tpu.region"() ({
        %run_scoped3A = tpu.sem_alloc : memref<!tpu.dma_semaphore, #tpu.memory_space<semaphore_mem>>
        %dma_start3A = arith.constant 0 : i32
        %dma_start3A_44 = tpu.memref_slice %arg5[%add3A_42, %dma_start3A] : memref<16384x128xi32, #tpu.memory_space<hbm>> -> memref<128x128xi32, #tpu.memory_space<hbm>>
        %dma_start3A_45 = arith.constant 0 : i32
        %dma_start3A_46 = tpu.memref_slice %arg5[%add3A_42, %dma_start3A_45] : memref<16384x128xi32, #tpu.memory_space<hbm>> -> memref<128x128xi32, #tpu.memory_space<hbm>>
        tpu.enqueue_dma source(%arg11 : memref<128x128xi32, #tpu.memory_space<vmem>>) target(%dma_start3A_46 : memref<128x128xi32, #tpu.memory_space<hbm>>) target_semaphore(%run_scoped3A : memref<!tpu.dma_semaphore, #tpu.memory_space<semaphore_mem>>)
        %dma_wait3A = arith.constant 0 : i32
        %dma_wait3A_47 = tpu.memref_slice %arg5[%add3A_42, %dma_wait3A] : memref<16384x128xi32, #tpu.memory_space<hbm>> -> memref<128x128xi32, #tpu.memory_space<hbm>>
        %dma_wait3A_48 = arith.constant 0 : i32
        %dma_wait3A_49 = tpu.memref_slice %arg5[%add3A_42, %dma_wait3A_48] : memref<16384x128xi32, #tpu.memory_space<hbm>> -> memref<128x128xi32, #tpu.memory_space<hbm>>
        tpu.wait_dma2 semaphore(%run_scoped3A : memref<!tpu.dma_semaphore, #tpu.memory_space<semaphore_mem>>) src(%arg11 : memref<128x128xi32, #tpu.memory_space<vmem>>) dst(%dma_wait3A_49 : memref<128x128xi32, #tpu.memory_space<hbm>>)
        tpu.yield
      }) : () -> ()
      "tpu.region"() ({
        %run_scoped3A = tpu.sem_alloc : memref<!tpu.dma_semaphore, #tpu.memory_space<semaphore_mem>>
        %dma_start3A = tpu.memref_slice %arg10[%mul3A_39] : memref<512xi32, #tpu.memory_space<vmem>> -> memref<128xi32, #tpu.memory_space<vmem>>
        %dma_start3A_44 = arith.constant 0 : i32
        %dma_start3A_45 = arith.constant 0 : i32
        %dma_start3A_46 = tpu.memref_slice %arg3[%dma_start3A_44, %dma_start3A_45] : memref<8192x128xi32, #tpu.memory_space<hbm>> -> memref<8192x128xi32, #tpu.memory_space<hbm>>
        tpu.enqueue_indirect_dma source(%dma_start3A_46 : memref<8192x128xi32, #tpu.memory_space<hbm>>) target(%arg12 : memref<128x128xi32, #tpu.memory_space<vmem>>) offsets(%dma_start3A : memref<128xi32, #tpu.memory_space<vmem>>) semaphore(%run_scoped3A : memref<!tpu.dma_semaphore, #tpu.memory_space<semaphore_mem>>)
        %dma_wait3A = tpu.memref_slice %arg10[%mul3A_39] : memref<512xi32, #tpu.memory_space<vmem>> -> memref<128xi32, #tpu.memory_space<vmem>>
        %dma_wait3A_47 = arith.constant 0 : i32
        %dma_wait3A_48 = arith.constant 0 : i32
        %dma_wait3A_49 = tpu.memref_slice %arg3[%dma_wait3A_47, %dma_wait3A_48] : memref<8192x128xi32, #tpu.memory_space<hbm>> -> memref<8192x128xi32, #tpu.memory_space<hbm>>
        tpu.wait_indirect_dma semaphore(%run_scoped3A : memref<!tpu.dma_semaphore, #tpu.memory_space<semaphore_mem>>) src(%dma_wait3A_49 : memref<8192x128xi32, #tpu.memory_space<hbm>>) dst(%arg12 : memref<128x128xi32, #tpu.memory_space<vmem>>)
        tpu.yield
      }) : () -> ()
      "tpu.region"() ({
        %run_scoped3A = tpu.sem_alloc : memref<!tpu.dma_semaphore, #tpu.memory_space<semaphore_mem>>
        %dma_start3A = arith.constant 0 : i32
        %dma_start3A_44 = tpu.memref_slice %arg6[%add3A_42, %dma_start3A] : memref<16384x128xi32, #tpu.memory_space<hbm>> -> memref<128x128xi32, #tpu.memory_space<hbm>>
        %dma_start3A_45 = arith.constant 0 : i32
        %dma_start3A_46 = tpu.memref_slice %arg6[%add3A_42, %dma_start3A_45] : memref<16384x128xi32, #tpu.memory_space<hbm>> -> memref<128x128xi32, #tpu.memory_space<hbm>>
        tpu.enqueue_dma source(%arg12 : memref<128x128xi32, #tpu.memory_space<vmem>>) target(%dma_start3A_46 : memref<128x128xi32, #tpu.memory_space<hbm>>) target_semaphore(%run_scoped3A : memref<!tpu.dma_semaphore, #tpu.memory_space<semaphore_mem>>)
        %dma_wait3A = arith.constant 0 : i32
        %dma_wait3A_47 = tpu.memref_slice %arg6[%add3A_42, %dma_wait3A] : memref<16384x128xi32, #tpu.memory_space<hbm>> -> memref<128x128xi32, #tpu.memory_space<hbm>>
        %dma_wait3A_48 = arith.constant 0 : i32
        %dma_wait3A_49 = tpu.memref_slice %arg6[%add3A_42, %dma_wait3A_48] : memref<16384x128xi32, #tpu.memory_space<hbm>> -> memref<128x128xi32, #tpu.memory_space<hbm>>
        tpu.wait_dma2 semaphore(%run_scoped3A : memref<!tpu.dma_semaphore, #tpu.memory_space<semaphore_mem>>) src(%arg12 : memref<128x128xi32, #tpu.memory_space<vmem>>) dst(%dma_wait3A_49 : memref<128x128xi32, #tpu.memory_space<hbm>>)
        tpu.yield
      }) : () -> ()
      "tpu.region"() ({
        %run_scoped3A = tpu.sem_alloc : memref<!tpu.dma_semaphore, #tpu.memory_space<semaphore_mem>>
        %dma_start3A = tpu.memref_slice %arg9[%mul3A_37] : memref<512xi32, #tpu.memory_space<vmem>> -> memref<128xi32, #tpu.memory_space<vmem>>
        %dma_start3A_44 = arith.constant 0 : i32
        %dma_start3A_45 = arith.constant 0 : i32
        %dma_start3A_46 = tpu.memref_slice %arg4[%dma_start3A_44, %dma_start3A_45] : memref<8192x128xf32, #tpu.memory_space<hbm>> -> memref<8192x128xf32, #tpu.memory_space<hbm>>
        tpu.enqueue_indirect_dma source(%dma_start3A_46 : memref<8192x128xf32, #tpu.memory_space<hbm>>) target(%arg13 : memref<128x128xf32, #tpu.memory_space<vmem>>) offsets(%dma_start3A : memref<128xi32, #tpu.memory_space<vmem>>) semaphore(%run_scoped3A : memref<!tpu.dma_semaphore, #tpu.memory_space<semaphore_mem>>)
        %dma_wait3A = tpu.memref_slice %arg9[%mul3A_37] : memref<512xi32, #tpu.memory_space<vmem>> -> memref<128xi32, #tpu.memory_space<vmem>>
        %dma_wait3A_47 = arith.constant 0 : i32
        %dma_wait3A_48 = arith.constant 0 : i32
        %dma_wait3A_49 = tpu.memref_slice %arg4[%dma_wait3A_47, %dma_wait3A_48] : memref<8192x128xf32, #tpu.memory_space<hbm>> -> memref<8192x128xf32, #tpu.memory_space<hbm>>
        tpu.wait_indirect_dma semaphore(%run_scoped3A : memref<!tpu.dma_semaphore, #tpu.memory_space<semaphore_mem>>) src(%dma_wait3A_49 : memref<8192x128xf32, #tpu.memory_space<hbm>>) dst(%arg13 : memref<128x128xf32, #tpu.memory_space<vmem>>)
        tpu.yield
      }) : () -> ()
      "tpu.region"() ({
        %run_scoped3A = tpu.sem_alloc : memref<!tpu.dma_semaphore, #tpu.memory_space<semaphore_mem>>
        %dma_start3A = arith.constant 0 : i32
        %dma_start3A_44 = tpu.memref_slice %arg7[%add3A_42, %dma_start3A] : memref<16384x128xf32, #tpu.memory_space<hbm>> -> memref<128x128xf32, #tpu.memory_space<hbm>>
        %dma_start3A_45 = arith.constant 0 : i32
        %dma_start3A_46 = tpu.memref_slice %arg7[%add3A_42, %dma_start3A_45] : memref<16384x128xf32, #tpu.memory_space<hbm>> -> memref<128x128xf32, #tpu.memory_space<hbm>>
        tpu.enqueue_dma source(%arg13 : memref<128x128xf32, #tpu.memory_space<vmem>>) target(%dma_start3A_46 : memref<128x128xf32, #tpu.memory_space<hbm>>) target_semaphore(%run_scoped3A : memref<!tpu.dma_semaphore, #tpu.memory_space<semaphore_mem>>)
        %dma_wait3A = arith.constant 0 : i32
        %dma_wait3A_47 = tpu.memref_slice %arg7[%add3A_42, %dma_wait3A] : memref<16384x128xf32, #tpu.memory_space<hbm>> -> memref<128x128xf32, #tpu.memory_space<hbm>>
        %dma_wait3A_48 = arith.constant 0 : i32
        %dma_wait3A_49 = tpu.memref_slice %arg7[%add3A_42, %dma_wait3A_48] : memref<16384x128xf32, #tpu.memory_space<hbm>> -> memref<128x128xf32, #tpu.memory_space<hbm>>
        tpu.wait_dma2 semaphore(%run_scoped3A : memref<!tpu.dma_semaphore, #tpu.memory_space<semaphore_mem>>) src(%arg13 : memref<128x128xf32, #tpu.memory_space<vmem>>) dst(%dma_wait3A_49 : memref<128x128xf32, #tpu.memory_space<hbm>>)
        tpu.yield
      }) : () -> ()
      %scan3A_43 = arith.constant 0 : i32
      scf.yield %scan3A_43 : i32
    }
    %scan3A_33 = arith.constant 4 : i32
    return
  }
}

module attributes {stable_mosaic.version = 14 : i64} {
  func.func @_argmin_body(%arg0: i32, %arg1: memref<512x1xf32, #tpu.memory_space<vmem>>, %arg2: memref<1x8192xf32, #tpu.memory_space<vmem>>, %arg3: memref<512x256xf32, #tpu.memory_space<vmem>>, %arg4: memref<8192x256xf32, #tpu.memory_space<vmem>>, %arg5: memref<512x1xi32, #tpu.memory_space<vmem>>) attributes {dimension_semantics = [#tpu.dimension_semantics<arbitrary>], iteration_bounds = array<i64: 32>, scalar_prefetch = 0 : i64, scratch_operands = 0 : i64, tpu.core_type = #tpu.core_type<tc>, window_params = [{transform_indices = @transform_0, window_bounds = array<i64: 512, 1>}, {pipeline_mode = #tpu.pipeline_mode<synchronous>, transform_indices = @transform_1, window_bounds = array<i64: 1, 8192>}, {transform_indices = @transform_2, window_bounds = array<i64: 512, 256>}, {pipeline_mode = #tpu.pipeline_mode<synchronous>, transform_indices = @transform_3, window_bounds = array<i64: 8192, 256>}, {transform_indices = @transform_4, window_bounds = array<i64: 512, 1>}]} {
    %get3A = arith.constant 0 : index
    %get3A_0 = arith.constant 0 : index
    %get3A_1 = vector.load %arg3[%get3A, %get3A_0] : memref<512x256xf32, #tpu.memory_space<vmem>>, vector<512x256xf32>
    %mul3A = arith.constant -2.000000e+00 : f32
    %mul3A_2 = vector.broadcast %mul3A : f32 to vector<512x256xf32>
    %mul3A_3 = arith.mulf %mul3A_2, %get3A_1 : vector<512x256xf32>
    %get3A_4 = arith.constant 0 : index
    %get3A_5 = arith.constant 0 : index
    %get3A_6 = vector.load %arg1[%get3A_4, %get3A_5] : memref<512x1xf32, #tpu.memory_space<vmem>>, vector<512x1xf32>
    %broadcast_in_dim3A = arith.constant 0x7F800000 : f32
    %broadcast_in_dim3A_7 = vector.broadcast %broadcast_in_dim3A : f32 to vector<512x128xf32>
    %broadcast_in_dim3A_8 = arith.constant 0 : i32
    %broadcast_in_dim3A_9 = vector.broadcast %broadcast_in_dim3A_8 : i32 to vector<512x128xi32>
    %get3A_10 = arith.constant 0 : index
    %get3A_11 = arith.constant 0 : index
    %get3A_12 = vector.load %arg4[%get3A_10, %get3A_11] : memref<8192x256xf32, #tpu.memory_space<vmem>>, vector<2048x256xf32>
    %dot_general3A = arith.constant dense<0.000000e+00> : vector<512x2048xf32>
    %dot_general3A_13 = tpu.matmul %mul3A_3, %get3A_12, %dot_general3A {dimension_numbers = #tpu.dot_dimension_numbers<[1], [1], [0], [0], [0, 0, 1, 0], [], []>, transpose_lhs_hint = false} : vector<512x256xf32>, vector<2048x256xf32>, vector<512x2048xf32> -> vector<512x2048xf32>
    %get3A_14 = arith.constant 0 : index
    %get3A_15 = arith.constant 0 : index
    %get3A_16 = vector.load %arg2[%get3A_14, %get3A_15] : memref<1x8192xf32, #tpu.memory_space<vmem>>, vector<1x128xf32>
    %add3A = vector.broadcast %get3A_6 : vector<512x1xf32> to vector<512x128xf32>
    %add3A_17 = vector.broadcast %get3A_16 : vector<1x128xf32> to vector<512x128xf32>
    %add3A_18 = arith.addf %add3A, %add3A_17 : vector<512x128xf32>
    %slice3A = vector.extract_strided_slice %dot_general3A_13 {offsets = [0, 0], sizes = [512, 128], strides = [1, 1]} : vector<512x2048xf32> to vector<512x128xf32>
    %add3A_19 = arith.addf %add3A_18, %slice3A : vector<512x128xf32>
    %lt3A = arith.cmpf olt, %add3A_19, %broadcast_in_dim3A_7 : vector<512x128xf32>
    %select_n3A = arith.select %lt3A, %add3A_19, %broadcast_in_dim3A_7 : vector<512x128xi1>, vector<512x128xf32>
    %jit3A = arith.constant 0 : i32
    %broadcast_in_dim3A_20 = vector.broadcast %jit3A : i32 to vector<512x128xi32>
    %select_n3A_21 = arith.select %lt3A, %broadcast_in_dim3A_20, %broadcast_in_dim3A_9 : vector<512x128xi1>, vector<512x128xi32>
    %get3A_22 = arith.constant 0 : index
    %get3A_23 = arith.constant 128 : index
    %get3A_24 = vector.load %arg2[%get3A_22, %get3A_23] : memref<1x8192xf32, #tpu.memory_space<vmem>>, vector<1x128xf32>
    %add3A_25 = vector.broadcast %get3A_6 : vector<512x1xf32> to vector<512x128xf32>
    %add3A_26 = vector.broadcast %get3A_24 : vector<1x128xf32> to vector<512x128xf32>
    %add3A_27 = arith.addf %add3A_25, %add3A_26 : vector<512x128xf32>
    %slice3A_28 = vector.extract_strided_slice %dot_general3A_13 {offsets = [0, 128], sizes = [512, 128], strides = [1, 1]} : vector<512x2048xf32> to vector<512x128xf32>
    %add3A_29 = arith.addf %add3A_27, %slice3A_28 : vector<512x128xf32>
    %lt3A_30 = arith.cmpf olt, %add3A_29, %select_n3A : vector<512x128xf32>
    %select_n3A_31 = arith.select %lt3A_30, %add3A_29, %select_n3A : vector<512x128xi1>, vector<512x128xf32>
    %jit3A_32 = arith.constant 1 : i32
    %broadcast_in_dim3A_33 = vector.broadcast %jit3A_32 : i32 to vector<512x128xi32>
    %select_n3A_34 = arith.select %lt3A_30, %broadcast_in_dim3A_33, %select_n3A_21 : vector<512x128xi1>, vector<512x128xi32>
    %get3A_35 = arith.constant 0 : index
    %get3A_36 = arith.constant 256 : index
    %get3A_37 = vector.load %arg2[%get3A_35, %get3A_36] : memref<1x8192xf32, #tpu.memory_space<vmem>>, vector<1x128xf32>
    %add3A_38 = vector.broadcast %get3A_6 : vector<512x1xf32> to vector<512x128xf32>
    %add3A_39 = vector.broadcast %get3A_37 : vector<1x128xf32> to vector<512x128xf32>
    %add3A_40 = arith.addf %add3A_38, %add3A_39 : vector<512x128xf32>
    %slice3A_41 = vector.extract_strided_slice %dot_general3A_13 {offsets = [0, 256], sizes = [512, 128], strides = [1, 1]} : vector<512x2048xf32> to vector<512x128xf32>
    %add3A_42 = arith.addf %add3A_40, %slice3A_41 : vector<512x128xf32>
    %lt3A_43 = arith.cmpf olt, %add3A_42, %select_n3A_31 : vector<512x128xf32>
    %select_n3A_44 = arith.select %lt3A_43, %add3A_42, %select_n3A_31 : vector<512x128xi1>, vector<512x128xf32>
    %jit3A_45 = arith.constant 2 : i32
    %broadcast_in_dim3A_46 = vector.broadcast %jit3A_45 : i32 to vector<512x128xi32>
    %select_n3A_47 = arith.select %lt3A_43, %broadcast_in_dim3A_46, %select_n3A_34 : vector<512x128xi1>, vector<512x128xi32>
    %get3A_48 = arith.constant 0 : index
    %get3A_49 = arith.constant 384 : index
    %get3A_50 = vector.load %arg2[%get3A_48, %get3A_49] : memref<1x8192xf32, #tpu.memory_space<vmem>>, vector<1x128xf32>
    %add3A_51 = vector.broadcast %get3A_6 : vector<512x1xf32> to vector<512x128xf32>
    %add3A_52 = vector.broadcast %get3A_50 : vector<1x128xf32> to vector<512x128xf32>
    %add3A_53 = arith.addf %add3A_51, %add3A_52 : vector<512x128xf32>
    %slice3A_54 = vector.extract_strided_slice %dot_general3A_13 {offsets = [0, 384], sizes = [512, 128], strides = [1, 1]} : vector<512x2048xf32> to vector<512x128xf32>
    %add3A_55 = arith.addf %add3A_53, %slice3A_54 : vector<512x128xf32>
    %lt3A_56 = arith.cmpf olt, %add3A_55, %select_n3A_44 : vector<512x128xf32>
    %select_n3A_57 = arith.select %lt3A_56, %add3A_55, %select_n3A_44 : vector<512x128xi1>, vector<512x128xf32>
    %jit3A_58 = arith.constant 3 : i32
    %broadcast_in_dim3A_59 = vector.broadcast %jit3A_58 : i32 to vector<512x128xi32>
    %select_n3A_60 = arith.select %lt3A_56, %broadcast_in_dim3A_59, %select_n3A_47 : vector<512x128xi1>, vector<512x128xi32>
    %get3A_61 = arith.constant 0 : index
    %get3A_62 = arith.constant 512 : index
    %get3A_63 = vector.load %arg2[%get3A_61, %get3A_62] : memref<1x8192xf32, #tpu.memory_space<vmem>>, vector<1x128xf32>
    %add3A_64 = vector.broadcast %get3A_6 : vector<512x1xf32> to vector<512x128xf32>
    %add3A_65 = vector.broadcast %get3A_63 : vector<1x128xf32> to vector<512x128xf32>
    %add3A_66 = arith.addf %add3A_64, %add3A_65 : vector<512x128xf32>
    %slice3A_67 = vector.extract_strided_slice %dot_general3A_13 {offsets = [0, 512], sizes = [512, 128], strides = [1, 1]} : vector<512x2048xf32> to vector<512x128xf32>
    %add3A_68 = arith.addf %add3A_66, %slice3A_67 : vector<512x128xf32>
    %lt3A_69 = arith.cmpf olt, %add3A_68, %select_n3A_57 : vector<512x128xf32>
    %select_n3A_70 = arith.select %lt3A_69, %add3A_68, %select_n3A_57 : vector<512x128xi1>, vector<512x128xf32>
    %jit3A_71 = arith.constant 4 : i32
    %broadcast_in_dim3A_72 = vector.broadcast %jit3A_71 : i32 to vector<512x128xi32>
    %select_n3A_73 = arith.select %lt3A_69, %broadcast_in_dim3A_72, %select_n3A_60 : vector<512x128xi1>, vector<512x128xi32>
    %get3A_74 = arith.constant 0 : index
    %get3A_75 = arith.constant 640 : index
    %get3A_76 = vector.load %arg2[%get3A_74, %get3A_75] : memref<1x8192xf32, #tpu.memory_space<vmem>>, vector<1x128xf32>
    %add3A_77 = vector.broadcast %get3A_6 : vector<512x1xf32> to vector<512x128xf32>
    %add3A_78 = vector.broadcast %get3A_76 : vector<1x128xf32> to vector<512x128xf32>
    %add3A_79 = arith.addf %add3A_77, %add3A_78 : vector<512x128xf32>
    %slice3A_80 = vector.extract_strided_slice %dot_general3A_13 {offsets = [0, 640], sizes = [512, 128], strides = [1, 1]} : vector<512x2048xf32> to vector<512x128xf32>
    %add3A_81 = arith.addf %add3A_79, %slice3A_80 : vector<512x128xf32>
    %lt3A_82 = arith.cmpf olt, %add3A_81, %select_n3A_70 : vector<512x128xf32>
    %select_n3A_83 = arith.select %lt3A_82, %add3A_81, %select_n3A_70 : vector<512x128xi1>, vector<512x128xf32>
    %jit3A_84 = arith.constant 5 : i32
    %broadcast_in_dim3A_85 = vector.broadcast %jit3A_84 : i32 to vector<512x128xi32>
    %select_n3A_86 = arith.select %lt3A_82, %broadcast_in_dim3A_85, %select_n3A_73 : vector<512x128xi1>, vector<512x128xi32>
    %get3A_87 = arith.constant 0 : index
    %get3A_88 = arith.constant 768 : index
    %get3A_89 = vector.load %arg2[%get3A_87, %get3A_88] : memref<1x8192xf32, #tpu.memory_space<vmem>>, vector<1x128xf32>
    %add3A_90 = vector.broadcast %get3A_6 : vector<512x1xf32> to vector<512x128xf32>
    %add3A_91 = vector.broadcast %get3A_89 : vector<1x128xf32> to vector<512x128xf32>
    %add3A_92 = arith.addf %add3A_90, %add3A_91 : vector<512x128xf32>
    %slice3A_93 = vector.extract_strided_slice %dot_general3A_13 {offsets = [0, 768], sizes = [512, 128], strides = [1, 1]} : vector<512x2048xf32> to vector<512x128xf32>
    %add3A_94 = arith.addf %add3A_92, %slice3A_93 : vector<512x128xf32>
    %lt3A_95 = arith.cmpf olt, %add3A_94, %select_n3A_83 : vector<512x128xf32>
    %select_n3A_96 = arith.select %lt3A_95, %add3A_94, %select_n3A_83 : vector<512x128xi1>, vector<512x128xf32>
    %jit3A_97 = arith.constant 6 : i32
    %broadcast_in_dim3A_98 = vector.broadcast %jit3A_97 : i32 to vector<512x128xi32>
    %select_n3A_99 = arith.select %lt3A_95, %broadcast_in_dim3A_98, %select_n3A_86 : vector<512x128xi1>, vector<512x128xi32>
    %get3A_100 = arith.constant 0 : index
    %get3A_101 = arith.constant 896 : index
    %get3A_102 = vector.load %arg2[%get3A_100, %get3A_101] : memref<1x8192xf32, #tpu.memory_space<vmem>>, vector<1x128xf32>
    %add3A_103 = vector.broadcast %get3A_6 : vector<512x1xf32> to vector<512x128xf32>
    %add3A_104 = vector.broadcast %get3A_102 : vector<1x128xf32> to vector<512x128xf32>
    %add3A_105 = arith.addf %add3A_103, %add3A_104 : vector<512x128xf32>
    %slice3A_106 = vector.extract_strided_slice %dot_general3A_13 {offsets = [0, 896], sizes = [512, 128], strides = [1, 1]} : vector<512x2048xf32> to vector<512x128xf32>
    %add3A_107 = arith.addf %add3A_105, %slice3A_106 : vector<512x128xf32>
    %lt3A_108 = arith.cmpf olt, %add3A_107, %select_n3A_96 : vector<512x128xf32>
    %select_n3A_109 = arith.select %lt3A_108, %add3A_107, %select_n3A_96 : vector<512x128xi1>, vector<512x128xf32>
    %jit3A_110 = arith.constant 7 : i32
    %broadcast_in_dim3A_111 = vector.broadcast %jit3A_110 : i32 to vector<512x128xi32>
    %select_n3A_112 = arith.select %lt3A_108, %broadcast_in_dim3A_111, %select_n3A_99 : vector<512x128xi1>, vector<512x128xi32>
    %get3A_113 = arith.constant 0 : index
    %get3A_114 = arith.constant 1024 : index
    %get3A_115 = vector.load %arg2[%get3A_113, %get3A_114] : memref<1x8192xf32, #tpu.memory_space<vmem>>, vector<1x128xf32>
    %add3A_116 = vector.broadcast %get3A_6 : vector<512x1xf32> to vector<512x128xf32>
    %add3A_117 = vector.broadcast %get3A_115 : vector<1x128xf32> to vector<512x128xf32>
    %add3A_118 = arith.addf %add3A_116, %add3A_117 : vector<512x128xf32>
    %slice3A_119 = vector.extract_strided_slice %dot_general3A_13 {offsets = [0, 1024], sizes = [512, 128], strides = [1, 1]} : vector<512x2048xf32> to vector<512x128xf32>
    %add3A_120 = arith.addf %add3A_118, %slice3A_119 : vector<512x128xf32>
    %lt3A_121 = arith.cmpf olt, %add3A_120, %select_n3A_109 : vector<512x128xf32>
    %select_n3A_122 = arith.select %lt3A_121, %add3A_120, %select_n3A_109 : vector<512x128xi1>, vector<512x128xf32>
    %jit3A_123 = arith.constant 8 : i32
    %broadcast_in_dim3A_124 = vector.broadcast %jit3A_123 : i32 to vector<512x128xi32>
    %select_n3A_125 = arith.select %lt3A_121, %broadcast_in_dim3A_124, %select_n3A_112 : vector<512x128xi1>, vector<512x128xi32>
    %get3A_126 = arith.constant 0 : index
    %get3A_127 = arith.constant 1152 : index
    %get3A_128 = vector.load %arg2[%get3A_126, %get3A_127] : memref<1x8192xf32, #tpu.memory_space<vmem>>, vector<1x128xf32>
    %add3A_129 = vector.broadcast %get3A_6 : vector<512x1xf32> to vector<512x128xf32>
    %add3A_130 = vector.broadcast %get3A_128 : vector<1x128xf32> to vector<512x128xf32>
    %add3A_131 = arith.addf %add3A_129, %add3A_130 : vector<512x128xf32>
    %slice3A_132 = vector.extract_strided_slice %dot_general3A_13 {offsets = [0, 1152], sizes = [512, 128], strides = [1, 1]} : vector<512x2048xf32> to vector<512x128xf32>
    %add3A_133 = arith.addf %add3A_131, %slice3A_132 : vector<512x128xf32>
    %lt3A_134 = arith.cmpf olt, %add3A_133, %select_n3A_122 : vector<512x128xf32>
    %select_n3A_135 = arith.select %lt3A_134, %add3A_133, %select_n3A_122 : vector<512x128xi1>, vector<512x128xf32>
    %jit3A_136 = arith.constant 9 : i32
    %broadcast_in_dim3A_137 = vector.broadcast %jit3A_136 : i32 to vector<512x128xi32>
    %select_n3A_138 = arith.select %lt3A_134, %broadcast_in_dim3A_137, %select_n3A_125 : vector<512x128xi1>, vector<512x128xi32>
    %get3A_139 = arith.constant 0 : index
    %get3A_140 = arith.constant 1280 : index
    %get3A_141 = vector.load %arg2[%get3A_139, %get3A_140] : memref<1x8192xf32, #tpu.memory_space<vmem>>, vector<1x128xf32>
    %add3A_142 = vector.broadcast %get3A_6 : vector<512x1xf32> to vector<512x128xf32>
    %add3A_143 = vector.broadcast %get3A_141 : vector<1x128xf32> to vector<512x128xf32>
    %add3A_144 = arith.addf %add3A_142, %add3A_143 : vector<512x128xf32>
    %slice3A_145 = vector.extract_strided_slice %dot_general3A_13 {offsets = [0, 1280], sizes = [512, 128], strides = [1, 1]} : vector<512x2048xf32> to vector<512x128xf32>
    %add3A_146 = arith.addf %add3A_144, %slice3A_145 : vector<512x128xf32>
    %lt3A_147 = arith.cmpf olt, %add3A_146, %select_n3A_135 : vector<512x128xf32>
    %select_n3A_148 = arith.select %lt3A_147, %add3A_146, %select_n3A_135 : vector<512x128xi1>, vector<512x128xf32>
    %jit3A_149 = arith.constant 10 : i32
    %broadcast_in_dim3A_150 = vector.broadcast %jit3A_149 : i32 to vector<512x128xi32>
    %select_n3A_151 = arith.select %lt3A_147, %broadcast_in_dim3A_150, %select_n3A_138 : vector<512x128xi1>, vector<512x128xi32>
    %get3A_152 = arith.constant 0 : index
    %get3A_153 = arith.constant 1408 : index
    %get3A_154 = vector.load %arg2[%get3A_152, %get3A_153] : memref<1x8192xf32, #tpu.memory_space<vmem>>, vector<1x128xf32>
    %add3A_155 = vector.broadcast %get3A_6 : vector<512x1xf32> to vector<512x128xf32>
    %add3A_156 = vector.broadcast %get3A_154 : vector<1x128xf32> to vector<512x128xf32>
    %add3A_157 = arith.addf %add3A_155, %add3A_156 : vector<512x128xf32>
    %slice3A_158 = vector.extract_strided_slice %dot_general3A_13 {offsets = [0, 1408], sizes = [512, 128], strides = [1, 1]} : vector<512x2048xf32> to vector<512x128xf32>
    %add3A_159 = arith.addf %add3A_157, %slice3A_158 : vector<512x128xf32>
    %lt3A_160 = arith.cmpf olt, %add3A_159, %select_n3A_148 : vector<512x128xf32>
    %select_n3A_161 = arith.select %lt3A_160, %add3A_159, %select_n3A_148 : vector<512x128xi1>, vector<512x128xf32>
    %jit3A_162 = arith.constant 11 : i32
    %broadcast_in_dim3A_163 = vector.broadcast %jit3A_162 : i32 to vector<512x128xi32>
    %select_n3A_164 = arith.select %lt3A_160, %broadcast_in_dim3A_163, %select_n3A_151 : vector<512x128xi1>, vector<512x128xi32>
    %get3A_165 = arith.constant 0 : index
    %get3A_166 = arith.constant 1536 : index
    %get3A_167 = vector.load %arg2[%get3A_165, %get3A_166] : memref<1x8192xf32, #tpu.memory_space<vmem>>, vector<1x128xf32>
    %add3A_168 = vector.broadcast %get3A_6 : vector<512x1xf32> to vector<512x128xf32>
    %add3A_169 = vector.broadcast %get3A_167 : vector<1x128xf32> to vector<512x128xf32>
    %add3A_170 = arith.addf %add3A_168, %add3A_169 : vector<512x128xf32>
    %slice3A_171 = vector.extract_strided_slice %dot_general3A_13 {offsets = [0, 1536], sizes = [512, 128], strides = [1, 1]} : vector<512x2048xf32> to vector<512x128xf32>
    %add3A_172 = arith.addf %add3A_170, %slice3A_171 : vector<512x128xf32>
    %lt3A_173 = arith.cmpf olt, %add3A_172, %select_n3A_161 : vector<512x128xf32>
    %select_n3A_174 = arith.select %lt3A_173, %add3A_172, %select_n3A_161 : vector<512x128xi1>, vector<512x128xf32>
    %jit3A_175 = arith.constant 12 : i32
    %broadcast_in_dim3A_176 = vector.broadcast %jit3A_175 : i32 to vector<512x128xi32>
    %select_n3A_177 = arith.select %lt3A_173, %broadcast_in_dim3A_176, %select_n3A_164 : vector<512x128xi1>, vector<512x128xi32>
    %get3A_178 = arith.constant 0 : index
    %get3A_179 = arith.constant 1664 : index
    %get3A_180 = vector.load %arg2[%get3A_178, %get3A_179] : memref<1x8192xf32, #tpu.memory_space<vmem>>, vector<1x128xf32>
    %add3A_181 = vector.broadcast %get3A_6 : vector<512x1xf32> to vector<512x128xf32>
    %add3A_182 = vector.broadcast %get3A_180 : vector<1x128xf32> to vector<512x128xf32>
    %add3A_183 = arith.addf %add3A_181, %add3A_182 : vector<512x128xf32>
    %slice3A_184 = vector.extract_strided_slice %dot_general3A_13 {offsets = [0, 1664], sizes = [512, 128], strides = [1, 1]} : vector<512x2048xf32> to vector<512x128xf32>
    %add3A_185 = arith.addf %add3A_183, %slice3A_184 : vector<512x128xf32>
    %lt3A_186 = arith.cmpf olt, %add3A_185, %select_n3A_174 : vector<512x128xf32>
    %select_n3A_187 = arith.select %lt3A_186, %add3A_185, %select_n3A_174 : vector<512x128xi1>, vector<512x128xf32>
    %jit3A_188 = arith.constant 13 : i32
    %broadcast_in_dim3A_189 = vector.broadcast %jit3A_188 : i32 to vector<512x128xi32>
    %select_n3A_190 = arith.select %lt3A_186, %broadcast_in_dim3A_189, %select_n3A_177 : vector<512x128xi1>, vector<512x128xi32>
    %get3A_191 = arith.constant 0 : index
    %get3A_192 = arith.constant 1792 : index
    %get3A_193 = vector.load %arg2[%get3A_191, %get3A_192] : memref<1x8192xf32, #tpu.memory_space<vmem>>, vector<1x128xf32>
    %add3A_194 = vector.broadcast %get3A_6 : vector<512x1xf32> to vector<512x128xf32>
    %add3A_195 = vector.broadcast %get3A_193 : vector<1x128xf32> to vector<512x128xf32>
    %add3A_196 = arith.addf %add3A_194, %add3A_195 : vector<512x128xf32>
    %slice3A_197 = vector.extract_strided_slice %dot_general3A_13 {offsets = [0, 1792], sizes = [512, 128], strides = [1, 1]} : vector<512x2048xf32> to vector<512x128xf32>
    %add3A_198 = arith.addf %add3A_196, %slice3A_197 : vector<512x128xf32>
    %lt3A_199 = arith.cmpf olt, %add3A_198, %select_n3A_187 : vector<512x128xf32>
    %select_n3A_200 = arith.select %lt3A_199, %add3A_198, %select_n3A_187 : vector<512x128xi1>, vector<512x128xf32>
    %jit3A_201 = arith.constant 14 : i32
    %broadcast_in_dim3A_202 = vector.broadcast %jit3A_201 : i32 to vector<512x128xi32>
    %select_n3A_203 = arith.select %lt3A_199, %broadcast_in_dim3A_202, %select_n3A_190 : vector<512x128xi1>, vector<512x128xi32>
    %get3A_204 = arith.constant 0 : index
    %get3A_205 = arith.constant 1920 : index
    %get3A_206 = vector.load %arg2[%get3A_204, %get3A_205] : memref<1x8192xf32, #tpu.memory_space<vmem>>, vector<1x128xf32>
    %add3A_207 = vector.broadcast %get3A_6 : vector<512x1xf32> to vector<512x128xf32>
    %add3A_208 = vector.broadcast %get3A_206 : vector<1x128xf32> to vector<512x128xf32>
    %add3A_209 = arith.addf %add3A_207, %add3A_208 : vector<512x128xf32>
    %slice3A_210 = vector.extract_strided_slice %dot_general3A_13 {offsets = [0, 1920], sizes = [512, 128], strides = [1, 1]} : vector<512x2048xf32> to vector<512x128xf32>
    %add3A_211 = arith.addf %add3A_209, %slice3A_210 : vector<512x128xf32>
    %lt3A_212 = arith.cmpf olt, %add3A_211, %select_n3A_200 : vector<512x128xf32>
    %select_n3A_213 = arith.select %lt3A_212, %add3A_211, %select_n3A_200 : vector<512x128xi1>, vector<512x128xf32>
    %jit3A_214 = arith.constant 15 : i32
    %broadcast_in_dim3A_215 = vector.broadcast %jit3A_214 : i32 to vector<512x128xi32>
    %select_n3A_216 = arith.select %lt3A_212, %broadcast_in_dim3A_215, %select_n3A_203 : vector<512x128xi1>, vector<512x128xi32>
    %get3A_217 = arith.constant 2048 : index
    %get3A_218 = arith.constant 0 : index
    %get3A_219 = vector.load %arg4[%get3A_217, %get3A_218] : memref<8192x256xf32, #tpu.memory_space<vmem>>, vector<2048x256xf32>
    %dot_general3A_220 = arith.constant dense<0.000000e+00> : vector<512x2048xf32>
    %dot_general3A_221 = tpu.matmul %mul3A_3, %get3A_219, %dot_general3A_220 {dimension_numbers = #tpu.dot_dimension_numbers<[1], [1], [0], [0], [0, 0, 1, 0], [], []>, transpose_lhs_hint = false} : vector<512x256xf32>, vector<2048x256xf32>, vector<512x2048xf32> -> vector<512x2048xf32>
    %get3A_222 = arith.constant 0 : index
    %get3A_223 = arith.constant 2048 : index
    %get3A_224 = vector.load %arg2[%get3A_222, %get3A_223] : memref<1x8192xf32, #tpu.memory_space<vmem>>, vector<1x128xf32>
    %add3A_225 = vector.broadcast %get3A_6 : vector<512x1xf32> to vector<512x128xf32>
    %add3A_226 = vector.broadcast %get3A_224 : vector<1x128xf32> to vector<512x128xf32>
    %add3A_227 = arith.addf %add3A_225, %add3A_226 : vector<512x128xf32>
    %slice3A_228 = vector.extract_strided_slice %dot_general3A_221 {offsets = [0, 0], sizes = [512, 128], strides = [1, 1]} : vector<512x2048xf32> to vector<512x128xf32>
    %add3A_229 = arith.addf %add3A_227, %slice3A_228 : vector<512x128xf32>
    %lt3A_230 = arith.cmpf olt, %add3A_229, %select_n3A_213 : vector<512x128xf32>
    %select_n3A_231 = arith.select %lt3A_230, %add3A_229, %select_n3A_213 : vector<512x128xi1>, vector<512x128xf32>
    %jit3A_232 = arith.constant 16 : i32
    %broadcast_in_dim3A_233 = vector.broadcast %jit3A_232 : i32 to vector<512x128xi32>
    %select_n3A_234 = arith.select %lt3A_230, %broadcast_in_dim3A_233, %select_n3A_216 : vector<512x128xi1>, vector<512x128xi32>
    %get3A_235 = arith.constant 0 : index
    %get3A_236 = arith.constant 2176 : index
    %get3A_237 = vector.load %arg2[%get3A_235, %get3A_236] : memref<1x8192xf32, #tpu.memory_space<vmem>>, vector<1x128xf32>
    %add3A_238 = vector.broadcast %get3A_6 : vector<512x1xf32> to vector<512x128xf32>
    %add3A_239 = vector.broadcast %get3A_237 : vector<1x128xf32> to vector<512x128xf32>
    %add3A_240 = arith.addf %add3A_238, %add3A_239 : vector<512x128xf32>
    %slice3A_241 = vector.extract_strided_slice %dot_general3A_221 {offsets = [0, 128], sizes = [512, 128], strides = [1, 1]} : vector<512x2048xf32> to vector<512x128xf32>
    %add3A_242 = arith.addf %add3A_240, %slice3A_241 : vector<512x128xf32>
    %lt3A_243 = arith.cmpf olt, %add3A_242, %select_n3A_231 : vector<512x128xf32>
    %select_n3A_244 = arith.select %lt3A_243, %add3A_242, %select_n3A_231 : vector<512x128xi1>, vector<512x128xf32>
    %jit3A_245 = arith.constant 17 : i32
    %broadcast_in_dim3A_246 = vector.broadcast %jit3A_245 : i32 to vector<512x128xi32>
    %select_n3A_247 = arith.select %lt3A_243, %broadcast_in_dim3A_246, %select_n3A_234 : vector<512x128xi1>, vector<512x128xi32>
    %get3A_248 = arith.constant 0 : index
    %get3A_249 = arith.constant 2304 : index
    %get3A_250 = vector.load %arg2[%get3A_248, %get3A_249] : memref<1x8192xf32, #tpu.memory_space<vmem>>, vector<1x128xf32>
    %add3A_251 = vector.broadcast %get3A_6 : vector<512x1xf32> to vector<512x128xf32>
    %add3A_252 = vector.broadcast %get3A_250 : vector<1x128xf32> to vector<512x128xf32>
    %add3A_253 = arith.addf %add3A_251, %add3A_252 : vector<512x128xf32>
    %slice3A_254 = vector.extract_strided_slice %dot_general3A_221 {offsets = [0, 256], sizes = [512, 128], strides = [1, 1]} : vector<512x2048xf32> to vector<512x128xf32>
    %add3A_255 = arith.addf %add3A_253, %slice3A_254 : vector<512x128xf32>
    %lt3A_256 = arith.cmpf olt, %add3A_255, %select_n3A_244 : vector<512x128xf32>
    %select_n3A_257 = arith.select %lt3A_256, %add3A_255, %select_n3A_244 : vector<512x128xi1>, vector<512x128xf32>
    %jit3A_258 = arith.constant 18 : i32
    %broadcast_in_dim3A_259 = vector.broadcast %jit3A_258 : i32 to vector<512x128xi32>
    %select_n3A_260 = arith.select %lt3A_256, %broadcast_in_dim3A_259, %select_n3A_247 : vector<512x128xi1>, vector<512x128xi32>
    %get3A_261 = arith.constant 0 : index
    %get3A_262 = arith.constant 2432 : index
    %get3A_263 = vector.load %arg2[%get3A_261, %get3A_262] : memref<1x8192xf32, #tpu.memory_space<vmem>>, vector<1x128xf32>
    %add3A_264 = vector.broadcast %get3A_6 : vector<512x1xf32> to vector<512x128xf32>
    %add3A_265 = vector.broadcast %get3A_263 : vector<1x128xf32> to vector<512x128xf32>
    %add3A_266 = arith.addf %add3A_264, %add3A_265 : vector<512x128xf32>
    %slice3A_267 = vector.extract_strided_slice %dot_general3A_221 {offsets = [0, 384], sizes = [512, 128], strides = [1, 1]} : vector<512x2048xf32> to vector<512x128xf32>
    %add3A_268 = arith.addf %add3A_266, %slice3A_267 : vector<512x128xf32>
    %lt3A_269 = arith.cmpf olt, %add3A_268, %select_n3A_257 : vector<512x128xf32>
    %select_n3A_270 = arith.select %lt3A_269, %add3A_268, %select_n3A_257 : vector<512x128xi1>, vector<512x128xf32>
    %jit3A_271 = arith.constant 19 : i32
    %broadcast_in_dim3A_272 = vector.broadcast %jit3A_271 : i32 to vector<512x128xi32>
    %select_n3A_273 = arith.select %lt3A_269, %broadcast_in_dim3A_272, %select_n3A_260 : vector<512x128xi1>, vector<512x128xi32>
    %get3A_274 = arith.constant 0 : index
    %get3A_275 = arith.constant 2560 : index
    %get3A_276 = vector.load %arg2[%get3A_274, %get3A_275] : memref<1x8192xf32, #tpu.memory_space<vmem>>, vector<1x128xf32>
    %add3A_277 = vector.broadcast %get3A_6 : vector<512x1xf32> to vector<512x128xf32>
    %add3A_278 = vector.broadcast %get3A_276 : vector<1x128xf32> to vector<512x128xf32>
    %add3A_279 = arith.addf %add3A_277, %add3A_278 : vector<512x128xf32>
    %slice3A_280 = vector.extract_strided_slice %dot_general3A_221 {offsets = [0, 512], sizes = [512, 128], strides = [1, 1]} : vector<512x2048xf32> to vector<512x128xf32>
    %add3A_281 = arith.addf %add3A_279, %slice3A_280 : vector<512x128xf32>
    %lt3A_282 = arith.cmpf olt, %add3A_281, %select_n3A_270 : vector<512x128xf32>
    %select_n3A_283 = arith.select %lt3A_282, %add3A_281, %select_n3A_270 : vector<512x128xi1>, vector<512x128xf32>
    %jit3A_284 = arith.constant 20 : i32
    %broadcast_in_dim3A_285 = vector.broadcast %jit3A_284 : i32 to vector<512x128xi32>
    %select_n3A_286 = arith.select %lt3A_282, %broadcast_in_dim3A_285, %select_n3A_273 : vector<512x128xi1>, vector<512x128xi32>
    %get3A_287 = arith.constant 0 : index
    %get3A_288 = arith.constant 2688 : index
    %get3A_289 = vector.load %arg2[%get3A_287, %get3A_288] : memref<1x8192xf32, #tpu.memory_space<vmem>>, vector<1x128xf32>
    %add3A_290 = vector.broadcast %get3A_6 : vector<512x1xf32> to vector<512x128xf32>
    %add3A_291 = vector.broadcast %get3A_289 : vector<1x128xf32> to vector<512x128xf32>
    %add3A_292 = arith.addf %add3A_290, %add3A_291 : vector<512x128xf32>
    %slice3A_293 = vector.extract_strided_slice %dot_general3A_221 {offsets = [0, 640], sizes = [512, 128], strides = [1, 1]} : vector<512x2048xf32> to vector<512x128xf32>
    %add3A_294 = arith.addf %add3A_292, %slice3A_293 : vector<512x128xf32>
    %lt3A_295 = arith.cmpf olt, %add3A_294, %select_n3A_283 : vector<512x128xf32>
    %select_n3A_296 = arith.select %lt3A_295, %add3A_294, %select_n3A_283 : vector<512x128xi1>, vector<512x128xf32>
    %jit3A_297 = arith.constant 21 : i32
    %broadcast_in_dim3A_298 = vector.broadcast %jit3A_297 : i32 to vector<512x128xi32>
    %select_n3A_299 = arith.select %lt3A_295, %broadcast_in_dim3A_298, %select_n3A_286 : vector<512x128xi1>, vector<512x128xi32>
    %get3A_300 = arith.constant 0 : index
    %get3A_301 = arith.constant 2816 : index
    %get3A_302 = vector.load %arg2[%get3A_300, %get3A_301] : memref<1x8192xf32, #tpu.memory_space<vmem>>, vector<1x128xf32>
    %add3A_303 = vector.broadcast %get3A_6 : vector<512x1xf32> to vector<512x128xf32>
    %add3A_304 = vector.broadcast %get3A_302 : vector<1x128xf32> to vector<512x128xf32>
    %add3A_305 = arith.addf %add3A_303, %add3A_304 : vector<512x128xf32>
    %slice3A_306 = vector.extract_strided_slice %dot_general3A_221 {offsets = [0, 768], sizes = [512, 128], strides = [1, 1]} : vector<512x2048xf32> to vector<512x128xf32>
    %add3A_307 = arith.addf %add3A_305, %slice3A_306 : vector<512x128xf32>
    %lt3A_308 = arith.cmpf olt, %add3A_307, %select_n3A_296 : vector<512x128xf32>
    %select_n3A_309 = arith.select %lt3A_308, %add3A_307, %select_n3A_296 : vector<512x128xi1>, vector<512x128xf32>
    %jit3A_310 = arith.constant 22 : i32
    %broadcast_in_dim3A_311 = vector.broadcast %jit3A_310 : i32 to vector<512x128xi32>
    %select_n3A_312 = arith.select %lt3A_308, %broadcast_in_dim3A_311, %select_n3A_299 : vector<512x128xi1>, vector<512x128xi32>
    %get3A_313 = arith.constant 0 : index
    %get3A_314 = arith.constant 2944 : index
    %get3A_315 = vector.load %arg2[%get3A_313, %get3A_314] : memref<1x8192xf32, #tpu.memory_space<vmem>>, vector<1x128xf32>
    %add3A_316 = vector.broadcast %get3A_6 : vector<512x1xf32> to vector<512x128xf32>
    %add3A_317 = vector.broadcast %get3A_315 : vector<1x128xf32> to vector<512x128xf32>
    %add3A_318 = arith.addf %add3A_316, %add3A_317 : vector<512x128xf32>
    %slice3A_319 = vector.extract_strided_slice %dot_general3A_221 {offsets = [0, 896], sizes = [512, 128], strides = [1, 1]} : vector<512x2048xf32> to vector<512x128xf32>
    %add3A_320 = arith.addf %add3A_318, %slice3A_319 : vector<512x128xf32>
    %lt3A_321 = arith.cmpf olt, %add3A_320, %select_n3A_309 : vector<512x128xf32>
    %select_n3A_322 = arith.select %lt3A_321, %add3A_320, %select_n3A_309 : vector<512x128xi1>, vector<512x128xf32>
    %jit3A_323 = arith.constant 23 : i32
    %broadcast_in_dim3A_324 = vector.broadcast %jit3A_323 : i32 to vector<512x128xi32>
    %select_n3A_325 = arith.select %lt3A_321, %broadcast_in_dim3A_324, %select_n3A_312 : vector<512x128xi1>, vector<512x128xi32>
    %get3A_326 = arith.constant 0 : index
    %get3A_327 = arith.constant 3072 : index
    %get3A_328 = vector.load %arg2[%get3A_326, %get3A_327] : memref<1x8192xf32, #tpu.memory_space<vmem>>, vector<1x128xf32>
    %add3A_329 = vector.broadcast %get3A_6 : vector<512x1xf32> to vector<512x128xf32>
    %add3A_330 = vector.broadcast %get3A_328 : vector<1x128xf32> to vector<512x128xf32>
    %add3A_331 = arith.addf %add3A_329, %add3A_330 : vector<512x128xf32>
    %slice3A_332 = vector.extract_strided_slice %dot_general3A_221 {offsets = [0, 1024], sizes = [512, 128], strides = [1, 1]} : vector<512x2048xf32> to vector<512x128xf32>
    %add3A_333 = arith.addf %add3A_331, %slice3A_332 : vector<512x128xf32>
    %lt3A_334 = arith.cmpf olt, %add3A_333, %select_n3A_322 : vector<512x128xf32>
    %select_n3A_335 = arith.select %lt3A_334, %add3A_333, %select_n3A_322 : vector<512x128xi1>, vector<512x128xf32>
    %jit3A_336 = arith.constant 24 : i32
    %broadcast_in_dim3A_337 = vector.broadcast %jit3A_336 : i32 to vector<512x128xi32>
    %select_n3A_338 = arith.select %lt3A_334, %broadcast_in_dim3A_337, %select_n3A_325 : vector<512x128xi1>, vector<512x128xi32>
    %get3A_339 = arith.constant 0 : index
    %get3A_340 = arith.constant 3200 : index
    %get3A_341 = vector.load %arg2[%get3A_339, %get3A_340] : memref<1x8192xf32, #tpu.memory_space<vmem>>, vector<1x128xf32>
    %add3A_342 = vector.broadcast %get3A_6 : vector<512x1xf32> to vector<512x128xf32>
    %add3A_343 = vector.broadcast %get3A_341 : vector<1x128xf32> to vector<512x128xf32>
    %add3A_344 = arith.addf %add3A_342, %add3A_343 : vector<512x128xf32>
    %slice3A_345 = vector.extract_strided_slice %dot_general3A_221 {offsets = [0, 1152], sizes = [512, 128], strides = [1, 1]} : vector<512x2048xf32> to vector<512x128xf32>
    %add3A_346 = arith.addf %add3A_344, %slice3A_345 : vector<512x128xf32>
    %lt3A_347 = arith.cmpf olt, %add3A_346, %select_n3A_335 : vector<512x128xf32>
    %select_n3A_348 = arith.select %lt3A_347, %add3A_346, %select_n3A_335 : vector<512x128xi1>, vector<512x128xf32>
    %jit3A_349 = arith.constant 25 : i32
    %broadcast_in_dim3A_350 = vector.broadcast %jit3A_349 : i32 to vector<512x128xi32>
    %select_n3A_351 = arith.select %lt3A_347, %broadcast_in_dim3A_350, %select_n3A_338 : vector<512x128xi1>, vector<512x128xi32>
    %get3A_352 = arith.constant 0 : index
    %get3A_353 = arith.constant 3328 : index
    %get3A_354 = vector.load %arg2[%get3A_352, %get3A_353] : memref<1x8192xf32, #tpu.memory_space<vmem>>, vector<1x128xf32>
    %add3A_355 = vector.broadcast %get3A_6 : vector<512x1xf32> to vector<512x128xf32>
    %add3A_356 = vector.broadcast %get3A_354 : vector<1x128xf32> to vector<512x128xf32>
    %add3A_357 = arith.addf %add3A_355, %add3A_356 : vector<512x128xf32>
    %slice3A_358 = vector.extract_strided_slice %dot_general3A_221 {offsets = [0, 1280], sizes = [512, 128], strides = [1, 1]} : vector<512x2048xf32> to vector<512x128xf32>
    %add3A_359 = arith.addf %add3A_357, %slice3A_358 : vector<512x128xf32>
    %lt3A_360 = arith.cmpf olt, %add3A_359, %select_n3A_348 : vector<512x128xf32>
    %select_n3A_361 = arith.select %lt3A_360, %add3A_359, %select_n3A_348 : vector<512x128xi1>, vector<512x128xf32>
    %jit3A_362 = arith.constant 26 : i32
    %broadcast_in_dim3A_363 = vector.broadcast %jit3A_362 : i32 to vector<512x128xi32>
    %select_n3A_364 = arith.select %lt3A_360, %broadcast_in_dim3A_363, %select_n3A_351 : vector<512x128xi1>, vector<512x128xi32>
    %get3A_365 = arith.constant 0 : index
    %get3A_366 = arith.constant 3456 : index
    %get3A_367 = vector.load %arg2[%get3A_365, %get3A_366] : memref<1x8192xf32, #tpu.memory_space<vmem>>, vector<1x128xf32>
    %add3A_368 = vector.broadcast %get3A_6 : vector<512x1xf32> to vector<512x128xf32>
    %add3A_369 = vector.broadcast %get3A_367 : vector<1x128xf32> to vector<512x128xf32>
    %add3A_370 = arith.addf %add3A_368, %add3A_369 : vector<512x128xf32>
    %slice3A_371 = vector.extract_strided_slice %dot_general3A_221 {offsets = [0, 1408], sizes = [512, 128], strides = [1, 1]} : vector<512x2048xf32> to vector<512x128xf32>
    %add3A_372 = arith.addf %add3A_370, %slice3A_371 : vector<512x128xf32>
    %lt3A_373 = arith.cmpf olt, %add3A_372, %select_n3A_361 : vector<512x128xf32>
    %select_n3A_374 = arith.select %lt3A_373, %add3A_372, %select_n3A_361 : vector<512x128xi1>, vector<512x128xf32>
    %jit3A_375 = arith.constant 27 : i32
    %broadcast_in_dim3A_376 = vector.broadcast %jit3A_375 : i32 to vector<512x128xi32>
    %select_n3A_377 = arith.select %lt3A_373, %broadcast_in_dim3A_376, %select_n3A_364 : vector<512x128xi1>, vector<512x128xi32>
    %get3A_378 = arith.constant 0 : index
    %get3A_379 = arith.constant 3584 : index
    %get3A_380 = vector.load %arg2[%get3A_378, %get3A_379] : memref<1x8192xf32, #tpu.memory_space<vmem>>, vector<1x128xf32>
    %add3A_381 = vector.broadcast %get3A_6 : vector<512x1xf32> to vector<512x128xf32>
    %add3A_382 = vector.broadcast %get3A_380 : vector<1x128xf32> to vector<512x128xf32>
    %add3A_383 = arith.addf %add3A_381, %add3A_382 : vector<512x128xf32>
    %slice3A_384 = vector.extract_strided_slice %dot_general3A_221 {offsets = [0, 1536], sizes = [512, 128], strides = [1, 1]} : vector<512x2048xf32> to vector<512x128xf32>
    %add3A_385 = arith.addf %add3A_383, %slice3A_384 : vector<512x128xf32>
    %lt3A_386 = arith.cmpf olt, %add3A_385, %select_n3A_374 : vector<512x128xf32>
    %select_n3A_387 = arith.select %lt3A_386, %add3A_385, %select_n3A_374 : vector<512x128xi1>, vector<512x128xf32>
    %jit3A_388 = arith.constant 28 : i32
    %broadcast_in_dim3A_389 = vector.broadcast %jit3A_388 : i32 to vector<512x128xi32>
    %select_n3A_390 = arith.select %lt3A_386, %broadcast_in_dim3A_389, %select_n3A_377 : vector<512x128xi1>, vector<512x128xi32>
    %get3A_391 = arith.constant 0 : index
    %get3A_392 = arith.constant 3712 : index
    %get3A_393 = vector.load %arg2[%get3A_391, %get3A_392] : memref<1x8192xf32, #tpu.memory_space<vmem>>, vector<1x128xf32>
    %add3A_394 = vector.broadcast %get3A_6 : vector<512x1xf32> to vector<512x128xf32>
    %add3A_395 = vector.broadcast %get3A_393 : vector<1x128xf32> to vector<512x128xf32>
    %add3A_396 = arith.addf %add3A_394, %add3A_395 : vector<512x128xf32>
    %slice3A_397 = vector.extract_strided_slice %dot_general3A_221 {offsets = [0, 1664], sizes = [512, 128], strides = [1, 1]} : vector<512x2048xf32> to vector<512x128xf32>
    %add3A_398 = arith.addf %add3A_396, %slice3A_397 : vector<512x128xf32>
    %lt3A_399 = arith.cmpf olt, %add3A_398, %select_n3A_387 : vector<512x128xf32>
    %select_n3A_400 = arith.select %lt3A_399, %add3A_398, %select_n3A_387 : vector<512x128xi1>, vector<512x128xf32>
    %jit3A_401 = arith.constant 29 : i32
    %broadcast_in_dim3A_402 = vector.broadcast %jit3A_401 : i32 to vector<512x128xi32>
    %select_n3A_403 = arith.select %lt3A_399, %broadcast_in_dim3A_402, %select_n3A_390 : vector<512x128xi1>, vector<512x128xi32>
    %get3A_404 = arith.constant 0 : index
    %get3A_405 = arith.constant 3840 : index
    %get3A_406 = vector.load %arg2[%get3A_404, %get3A_405] : memref<1x8192xf32, #tpu.memory_space<vmem>>, vector<1x128xf32>
    %add3A_407 = vector.broadcast %get3A_6 : vector<512x1xf32> to vector<512x128xf32>
    %add3A_408 = vector.broadcast %get3A_406 : vector<1x128xf32> to vector<512x128xf32>
    %add3A_409 = arith.addf %add3A_407, %add3A_408 : vector<512x128xf32>
    %slice3A_410 = vector.extract_strided_slice %dot_general3A_221 {offsets = [0, 1792], sizes = [512, 128], strides = [1, 1]} : vector<512x2048xf32> to vector<512x128xf32>
    %add3A_411 = arith.addf %add3A_409, %slice3A_410 : vector<512x128xf32>
    %lt3A_412 = arith.cmpf olt, %add3A_411, %select_n3A_400 : vector<512x128xf32>
    %select_n3A_413 = arith.select %lt3A_412, %add3A_411, %select_n3A_400 : vector<512x128xi1>, vector<512x128xf32>
    %jit3A_414 = arith.constant 30 : i32
    %broadcast_in_dim3A_415 = vector.broadcast %jit3A_414 : i32 to vector<512x128xi32>
    %select_n3A_416 = arith.select %lt3A_412, %broadcast_in_dim3A_415, %select_n3A_403 : vector<512x128xi1>, vector<512x128xi32>
    %get3A_417 = arith.constant 0 : index
    %get3A_418 = arith.constant 3968 : index
    %get3A_419 = vector.load %arg2[%get3A_417, %get3A_418] : memref<1x8192xf32, #tpu.memory_space<vmem>>, vector<1x128xf32>
    %add3A_420 = vector.broadcast %get3A_6 : vector<512x1xf32> to vector<512x128xf32>
    %add3A_421 = vector.broadcast %get3A_419 : vector<1x128xf32> to vector<512x128xf32>
    %add3A_422 = arith.addf %add3A_420, %add3A_421 : vector<512x128xf32>
    %slice3A_423 = vector.extract_strided_slice %dot_general3A_221 {offsets = [0, 1920], sizes = [512, 128], strides = [1, 1]} : vector<512x2048xf32> to vector<512x128xf32>
    %add3A_424 = arith.addf %add3A_422, %slice3A_423 : vector<512x128xf32>
    %lt3A_425 = arith.cmpf olt, %add3A_424, %select_n3A_413 : vector<512x128xf32>
    %select_n3A_426 = arith.select %lt3A_425, %add3A_424, %select_n3A_413 : vector<512x128xi1>, vector<512x128xf32>
    %jit3A_427 = arith.constant 31 : i32
    %broadcast_in_dim3A_428 = vector.broadcast %jit3A_427 : i32 to vector<512x128xi32>
    %select_n3A_429 = arith.select %lt3A_425, %broadcast_in_dim3A_428, %select_n3A_416 : vector<512x128xi1>, vector<512x128xi32>
    %get3A_430 = arith.constant 4096 : index
    %get3A_431 = arith.constant 0 : index
    %get3A_432 = vector.load %arg4[%get3A_430, %get3A_431] : memref<8192x256xf32, #tpu.memory_space<vmem>>, vector<2048x256xf32>
    %dot_general3A_433 = arith.constant dense<0.000000e+00> : vector<512x2048xf32>
    %dot_general3A_434 = tpu.matmul %mul3A_3, %get3A_432, %dot_general3A_433 {dimension_numbers = #tpu.dot_dimension_numbers<[1], [1], [0], [0], [0, 0, 1, 0], [], []>, transpose_lhs_hint = false} : vector<512x256xf32>, vector<2048x256xf32>, vector<512x2048xf32> -> vector<512x2048xf32>
    %get3A_435 = arith.constant 0 : index
    %get3A_436 = arith.constant 4096 : index
    %get3A_437 = vector.load %arg2[%get3A_435, %get3A_436] : memref<1x8192xf32, #tpu.memory_space<vmem>>, vector<1x128xf32>
    %add3A_438 = vector.broadcast %get3A_6 : vector<512x1xf32> to vector<512x128xf32>
    %add3A_439 = vector.broadcast %get3A_437 : vector<1x128xf32> to vector<512x128xf32>
    %add3A_440 = arith.addf %add3A_438, %add3A_439 : vector<512x128xf32>
    %slice3A_441 = vector.extract_strided_slice %dot_general3A_434 {offsets = [0, 0], sizes = [512, 128], strides = [1, 1]} : vector<512x2048xf32> to vector<512x128xf32>
    %add3A_442 = arith.addf %add3A_440, %slice3A_441 : vector<512x128xf32>
    %lt3A_443 = arith.cmpf olt, %add3A_442, %select_n3A_426 : vector<512x128xf32>
    %select_n3A_444 = arith.select %lt3A_443, %add3A_442, %select_n3A_426 : vector<512x128xi1>, vector<512x128xf32>
    %jit3A_445 = arith.constant 32 : i32
    %broadcast_in_dim3A_446 = vector.broadcast %jit3A_445 : i32 to vector<512x128xi32>
    %select_n3A_447 = arith.select %lt3A_443, %broadcast_in_dim3A_446, %select_n3A_429 : vector<512x128xi1>, vector<512x128xi32>
    %get3A_448 = arith.constant 0 : index
    %get3A_449 = arith.constant 4224 : index
    %get3A_450 = vector.load %arg2[%get3A_448, %get3A_449] : memref<1x8192xf32, #tpu.memory_space<vmem>>, vector<1x128xf32>
    %add3A_451 = vector.broadcast %get3A_6 : vector<512x1xf32> to vector<512x128xf32>
    %add3A_452 = vector.broadcast %get3A_450 : vector<1x128xf32> to vector<512x128xf32>
    %add3A_453 = arith.addf %add3A_451, %add3A_452 : vector<512x128xf32>
    %slice3A_454 = vector.extract_strided_slice %dot_general3A_434 {offsets = [0, 128], sizes = [512, 128], strides = [1, 1]} : vector<512x2048xf32> to vector<512x128xf32>
    %add3A_455 = arith.addf %add3A_453, %slice3A_454 : vector<512x128xf32>
    %lt3A_456 = arith.cmpf olt, %add3A_455, %select_n3A_444 : vector<512x128xf32>
    %select_n3A_457 = arith.select %lt3A_456, %add3A_455, %select_n3A_444 : vector<512x128xi1>, vector<512x128xf32>
    %jit3A_458 = arith.constant 33 : i32
    %broadcast_in_dim3A_459 = vector.broadcast %jit3A_458 : i32 to vector<512x128xi32>
    %select_n3A_460 = arith.select %lt3A_456, %broadcast_in_dim3A_459, %select_n3A_447 : vector<512x128xi1>, vector<512x128xi32>
    %get3A_461 = arith.constant 0 : index
    %get3A_462 = arith.constant 4352 : index
    %get3A_463 = vector.load %arg2[%get3A_461, %get3A_462] : memref<1x8192xf32, #tpu.memory_space<vmem>>, vector<1x128xf32>
    %add3A_464 = vector.broadcast %get3A_6 : vector<512x1xf32> to vector<512x128xf32>
    %add3A_465 = vector.broadcast %get3A_463 : vector<1x128xf32> to vector<512x128xf32>
    %add3A_466 = arith.addf %add3A_464, %add3A_465 : vector<512x128xf32>
    %slice3A_467 = vector.extract_strided_slice %dot_general3A_434 {offsets = [0, 256], sizes = [512, 128], strides = [1, 1]} : vector<512x2048xf32> to vector<512x128xf32>
    %add3A_468 = arith.addf %add3A_466, %slice3A_467 : vector<512x128xf32>
    %lt3A_469 = arith.cmpf olt, %add3A_468, %select_n3A_457 : vector<512x128xf32>
    %select_n3A_470 = arith.select %lt3A_469, %add3A_468, %select_n3A_457 : vector<512x128xi1>, vector<512x128xf32>
    %jit3A_471 = arith.constant 34 : i32
    %broadcast_in_dim3A_472 = vector.broadcast %jit3A_471 : i32 to vector<512x128xi32>
    %select_n3A_473 = arith.select %lt3A_469, %broadcast_in_dim3A_472, %select_n3A_460 : vector<512x128xi1>, vector<512x128xi32>
    %get3A_474 = arith.constant 0 : index
    %get3A_475 = arith.constant 4480 : index
    %get3A_476 = vector.load %arg2[%get3A_474, %get3A_475] : memref<1x8192xf32, #tpu.memory_space<vmem>>, vector<1x128xf32>
    %add3A_477 = vector.broadcast %get3A_6 : vector<512x1xf32> to vector<512x128xf32>
    %add3A_478 = vector.broadcast %get3A_476 : vector<1x128xf32> to vector<512x128xf32>
    %add3A_479 = arith.addf %add3A_477, %add3A_478 : vector<512x128xf32>
    %slice3A_480 = vector.extract_strided_slice %dot_general3A_434 {offsets = [0, 384], sizes = [512, 128], strides = [1, 1]} : vector<512x2048xf32> to vector<512x128xf32>
    %add3A_481 = arith.addf %add3A_479, %slice3A_480 : vector<512x128xf32>
    %lt3A_482 = arith.cmpf olt, %add3A_481, %select_n3A_470 : vector<512x128xf32>
    %select_n3A_483 = arith.select %lt3A_482, %add3A_481, %select_n3A_470 : vector<512x128xi1>, vector<512x128xf32>
    %jit3A_484 = arith.constant 35 : i32
    %broadcast_in_dim3A_485 = vector.broadcast %jit3A_484 : i32 to vector<512x128xi32>
    %select_n3A_486 = arith.select %lt3A_482, %broadcast_in_dim3A_485, %select_n3A_473 : vector<512x128xi1>, vector<512x128xi32>
    %get3A_487 = arith.constant 0 : index
    %get3A_488 = arith.constant 4608 : index
    %get3A_489 = vector.load %arg2[%get3A_487, %get3A_488] : memref<1x8192xf32, #tpu.memory_space<vmem>>, vector<1x128xf32>
    %add3A_490 = vector.broadcast %get3A_6 : vector<512x1xf32> to vector<512x128xf32>
    %add3A_491 = vector.broadcast %get3A_489 : vector<1x128xf32> to vector<512x128xf32>
    %add3A_492 = arith.addf %add3A_490, %add3A_491 : vector<512x128xf32>
    %slice3A_493 = vector.extract_strided_slice %dot_general3A_434 {offsets = [0, 512], sizes = [512, 128], strides = [1, 1]} : vector<512x2048xf32> to vector<512x128xf32>
    %add3A_494 = arith.addf %add3A_492, %slice3A_493 : vector<512x128xf32>
    %lt3A_495 = arith.cmpf olt, %add3A_494, %select_n3A_483 : vector<512x128xf32>
    %select_n3A_496 = arith.select %lt3A_495, %add3A_494, %select_n3A_483 : vector<512x128xi1>, vector<512x128xf32>
    %jit3A_497 = arith.constant 36 : i32
    %broadcast_in_dim3A_498 = vector.broadcast %jit3A_497 : i32 to vector<512x128xi32>
    %select_n3A_499 = arith.select %lt3A_495, %broadcast_in_dim3A_498, %select_n3A_486 : vector<512x128xi1>, vector<512x128xi32>
    %get3A_500 = arith.constant 0 : index
    %get3A_501 = arith.constant 4736 : index
    %get3A_502 = vector.load %arg2[%get3A_500, %get3A_501] : memref<1x8192xf32, #tpu.memory_space<vmem>>, vector<1x128xf32>
    %add3A_503 = vector.broadcast %get3A_6 : vector<512x1xf32> to vector<512x128xf32>
    %add3A_504 = vector.broadcast %get3A_502 : vector<1x128xf32> to vector<512x128xf32>
    %add3A_505 = arith.addf %add3A_503, %add3A_504 : vector<512x128xf32>
    %slice3A_506 = vector.extract_strided_slice %dot_general3A_434 {offsets = [0, 640], sizes = [512, 128], strides = [1, 1]} : vector<512x2048xf32> to vector<512x128xf32>
    %add3A_507 = arith.addf %add3A_505, %slice3A_506 : vector<512x128xf32>
    %lt3A_508 = arith.cmpf olt, %add3A_507, %select_n3A_496 : vector<512x128xf32>
    %select_n3A_509 = arith.select %lt3A_508, %add3A_507, %select_n3A_496 : vector<512x128xi1>, vector<512x128xf32>
    %jit3A_510 = arith.constant 37 : i32
    %broadcast_in_dim3A_511 = vector.broadcast %jit3A_510 : i32 to vector<512x128xi32>
    %select_n3A_512 = arith.select %lt3A_508, %broadcast_in_dim3A_511, %select_n3A_499 : vector<512x128xi1>, vector<512x128xi32>
    %get3A_513 = arith.constant 0 : index
    %get3A_514 = arith.constant 4864 : index
    %get3A_515 = vector.load %arg2[%get3A_513, %get3A_514] : memref<1x8192xf32, #tpu.memory_space<vmem>>, vector<1x128xf32>
    %add3A_516 = vector.broadcast %get3A_6 : vector<512x1xf32> to vector<512x128xf32>
    %add3A_517 = vector.broadcast %get3A_515 : vector<1x128xf32> to vector<512x128xf32>
    %add3A_518 = arith.addf %add3A_516, %add3A_517 : vector<512x128xf32>
    %slice3A_519 = vector.extract_strided_slice %dot_general3A_434 {offsets = [0, 768], sizes = [512, 128], strides = [1, 1]} : vector<512x2048xf32> to vector<512x128xf32>
    %add3A_520 = arith.addf %add3A_518, %slice3A_519 : vector<512x128xf32>
    %lt3A_521 = arith.cmpf olt, %add3A_520, %select_n3A_509 : vector<512x128xf32>
    %select_n3A_522 = arith.select %lt3A_521, %add3A_520, %select_n3A_509 : vector<512x128xi1>, vector<512x128xf32>
    %jit3A_523 = arith.constant 38 : i32
    %broadcast_in_dim3A_524 = vector.broadcast %jit3A_523 : i32 to vector<512x128xi32>
    %select_n3A_525 = arith.select %lt3A_521, %broadcast_in_dim3A_524, %select_n3A_512 : vector<512x128xi1>, vector<512x128xi32>
    %get3A_526 = arith.constant 0 : index
    %get3A_527 = arith.constant 4992 : index
    %get3A_528 = vector.load %arg2[%get3A_526, %get3A_527] : memref<1x8192xf32, #tpu.memory_space<vmem>>, vector<1x128xf32>
    %add3A_529 = vector.broadcast %get3A_6 : vector<512x1xf32> to vector<512x128xf32>
    %add3A_530 = vector.broadcast %get3A_528 : vector<1x128xf32> to vector<512x128xf32>
    %add3A_531 = arith.addf %add3A_529, %add3A_530 : vector<512x128xf32>
    %slice3A_532 = vector.extract_strided_slice %dot_general3A_434 {offsets = [0, 896], sizes = [512, 128], strides = [1, 1]} : vector<512x2048xf32> to vector<512x128xf32>
    %add3A_533 = arith.addf %add3A_531, %slice3A_532 : vector<512x128xf32>
    %lt3A_534 = arith.cmpf olt, %add3A_533, %select_n3A_522 : vector<512x128xf32>
    %select_n3A_535 = arith.select %lt3A_534, %add3A_533, %select_n3A_522 : vector<512x128xi1>, vector<512x128xf32>
    %jit3A_536 = arith.constant 39 : i32
    %broadcast_in_dim3A_537 = vector.broadcast %jit3A_536 : i32 to vector<512x128xi32>
    %select_n3A_538 = arith.select %lt3A_534, %broadcast_in_dim3A_537, %select_n3A_525 : vector<512x128xi1>, vector<512x128xi32>
    %get3A_539 = arith.constant 0 : index
    %get3A_540 = arith.constant 5120 : index
    %get3A_541 = vector.load %arg2[%get3A_539, %get3A_540] : memref<1x8192xf32, #tpu.memory_space<vmem>>, vector<1x128xf32>
    %add3A_542 = vector.broadcast %get3A_6 : vector<512x1xf32> to vector<512x128xf32>
    %add3A_543 = vector.broadcast %get3A_541 : vector<1x128xf32> to vector<512x128xf32>
    %add3A_544 = arith.addf %add3A_542, %add3A_543 : vector<512x128xf32>
    %slice3A_545 = vector.extract_strided_slice %dot_general3A_434 {offsets = [0, 1024], sizes = [512, 128], strides = [1, 1]} : vector<512x2048xf32> to vector<512x128xf32>
    %add3A_546 = arith.addf %add3A_544, %slice3A_545 : vector<512x128xf32>
    %lt3A_547 = arith.cmpf olt, %add3A_546, %select_n3A_535 : vector<512x128xf32>
    %select_n3A_548 = arith.select %lt3A_547, %add3A_546, %select_n3A_535 : vector<512x128xi1>, vector<512x128xf32>
    %jit3A_549 = arith.constant 40 : i32
    %broadcast_in_dim3A_550 = vector.broadcast %jit3A_549 : i32 to vector<512x128xi32>
    %select_n3A_551 = arith.select %lt3A_547, %broadcast_in_dim3A_550, %select_n3A_538 : vector<512x128xi1>, vector<512x128xi32>
    %get3A_552 = arith.constant 0 : index
    %get3A_553 = arith.constant 5248 : index
    %get3A_554 = vector.load %arg2[%get3A_552, %get3A_553] : memref<1x8192xf32, #tpu.memory_space<vmem>>, vector<1x128xf32>
    %add3A_555 = vector.broadcast %get3A_6 : vector<512x1xf32> to vector<512x128xf32>
    %add3A_556 = vector.broadcast %get3A_554 : vector<1x128xf32> to vector<512x128xf32>
    %add3A_557 = arith.addf %add3A_555, %add3A_556 : vector<512x128xf32>
    %slice3A_558 = vector.extract_strided_slice %dot_general3A_434 {offsets = [0, 1152], sizes = [512, 128], strides = [1, 1]} : vector<512x2048xf32> to vector<512x128xf32>
    %add3A_559 = arith.addf %add3A_557, %slice3A_558 : vector<512x128xf32>
    %lt3A_560 = arith.cmpf olt, %add3A_559, %select_n3A_548 : vector<512x128xf32>
    %select_n3A_561 = arith.select %lt3A_560, %add3A_559, %select_n3A_548 : vector<512x128xi1>, vector<512x128xf32>
    %jit3A_562 = arith.constant 41 : i32
    %broadcast_in_dim3A_563 = vector.broadcast %jit3A_562 : i32 to vector<512x128xi32>
    %select_n3A_564 = arith.select %lt3A_560, %broadcast_in_dim3A_563, %select_n3A_551 : vector<512x128xi1>, vector<512x128xi32>
    %get3A_565 = arith.constant 0 : index
    %get3A_566 = arith.constant 5376 : index
    %get3A_567 = vector.load %arg2[%get3A_565, %get3A_566] : memref<1x8192xf32, #tpu.memory_space<vmem>>, vector<1x128xf32>
    %add3A_568 = vector.broadcast %get3A_6 : vector<512x1xf32> to vector<512x128xf32>
    %add3A_569 = vector.broadcast %get3A_567 : vector<1x128xf32> to vector<512x128xf32>
    %add3A_570 = arith.addf %add3A_568, %add3A_569 : vector<512x128xf32>
    %slice3A_571 = vector.extract_strided_slice %dot_general3A_434 {offsets = [0, 1280], sizes = [512, 128], strides = [1, 1]} : vector<512x2048xf32> to vector<512x128xf32>
    %add3A_572 = arith.addf %add3A_570, %slice3A_571 : vector<512x128xf32>
    %lt3A_573 = arith.cmpf olt, %add3A_572, %select_n3A_561 : vector<512x128xf32>
    %select_n3A_574 = arith.select %lt3A_573, %add3A_572, %select_n3A_561 : vector<512x128xi1>, vector<512x128xf32>
    %jit3A_575 = arith.constant 42 : i32
    %broadcast_in_dim3A_576 = vector.broadcast %jit3A_575 : i32 to vector<512x128xi32>
    %select_n3A_577 = arith.select %lt3A_573, %broadcast_in_dim3A_576, %select_n3A_564 : vector<512x128xi1>, vector<512x128xi32>
    %get3A_578 = arith.constant 0 : index
    %get3A_579 = arith.constant 5504 : index
    %get3A_580 = vector.load %arg2[%get3A_578, %get3A_579] : memref<1x8192xf32, #tpu.memory_space<vmem>>, vector<1x128xf32>
    %add3A_581 = vector.broadcast %get3A_6 : vector<512x1xf32> to vector<512x128xf32>
    %add3A_582 = vector.broadcast %get3A_580 : vector<1x128xf32> to vector<512x128xf32>
    %add3A_583 = arith.addf %add3A_581, %add3A_582 : vector<512x128xf32>
    %slice3A_584 = vector.extract_strided_slice %dot_general3A_434 {offsets = [0, 1408], sizes = [512, 128], strides = [1, 1]} : vector<512x2048xf32> to vector<512x128xf32>
    %add3A_585 = arith.addf %add3A_583, %slice3A_584 : vector<512x128xf32>
    %lt3A_586 = arith.cmpf olt, %add3A_585, %select_n3A_574 : vector<512x128xf32>
    %select_n3A_587 = arith.select %lt3A_586, %add3A_585, %select_n3A_574 : vector<512x128xi1>, vector<512x128xf32>
    %jit3A_588 = arith.constant 43 : i32
    %broadcast_in_dim3A_589 = vector.broadcast %jit3A_588 : i32 to vector<512x128xi32>
    %select_n3A_590 = arith.select %lt3A_586, %broadcast_in_dim3A_589, %select_n3A_577 : vector<512x128xi1>, vector<512x128xi32>
    %get3A_591 = arith.constant 0 : index
    %get3A_592 = arith.constant 5632 : index
    %get3A_593 = vector.load %arg2[%get3A_591, %get3A_592] : memref<1x8192xf32, #tpu.memory_space<vmem>>, vector<1x128xf32>
    %add3A_594 = vector.broadcast %get3A_6 : vector<512x1xf32> to vector<512x128xf32>
    %add3A_595 = vector.broadcast %get3A_593 : vector<1x128xf32> to vector<512x128xf32>
    %add3A_596 = arith.addf %add3A_594, %add3A_595 : vector<512x128xf32>
    %slice3A_597 = vector.extract_strided_slice %dot_general3A_434 {offsets = [0, 1536], sizes = [512, 128], strides = [1, 1]} : vector<512x2048xf32> to vector<512x128xf32>
    %add3A_598 = arith.addf %add3A_596, %slice3A_597 : vector<512x128xf32>
    %lt3A_599 = arith.cmpf olt, %add3A_598, %select_n3A_587 : vector<512x128xf32>
    %select_n3A_600 = arith.select %lt3A_599, %add3A_598, %select_n3A_587 : vector<512x128xi1>, vector<512x128xf32>
    %jit3A_601 = arith.constant 44 : i32
    %broadcast_in_dim3A_602 = vector.broadcast %jit3A_601 : i32 to vector<512x128xi32>
    %select_n3A_603 = arith.select %lt3A_599, %broadcast_in_dim3A_602, %select_n3A_590 : vector<512x128xi1>, vector<512x128xi32>
    %get3A_604 = arith.constant 0 : index
    %get3A_605 = arith.constant 5760 : index
    %get3A_606 = vector.load %arg2[%get3A_604, %get3A_605] : memref<1x8192xf32, #tpu.memory_space<vmem>>, vector<1x128xf32>
    %add3A_607 = vector.broadcast %get3A_6 : vector<512x1xf32> to vector<512x128xf32>
    %add3A_608 = vector.broadcast %get3A_606 : vector<1x128xf32> to vector<512x128xf32>
    %add3A_609 = arith.addf %add3A_607, %add3A_608 : vector<512x128xf32>
    %slice3A_610 = vector.extract_strided_slice %dot_general3A_434 {offsets = [0, 1664], sizes = [512, 128], strides = [1, 1]} : vector<512x2048xf32> to vector<512x128xf32>
    %add3A_611 = arith.addf %add3A_609, %slice3A_610 : vector<512x128xf32>
    %lt3A_612 = arith.cmpf olt, %add3A_611, %select_n3A_600 : vector<512x128xf32>
    %select_n3A_613 = arith.select %lt3A_612, %add3A_611, %select_n3A_600 : vector<512x128xi1>, vector<512x128xf32>
    %jit3A_614 = arith.constant 45 : i32
    %broadcast_in_dim3A_615 = vector.broadcast %jit3A_614 : i32 to vector<512x128xi32>
    %select_n3A_616 = arith.select %lt3A_612, %broadcast_in_dim3A_615, %select_n3A_603 : vector<512x128xi1>, vector<512x128xi32>
    %get3A_617 = arith.constant 0 : index
    %get3A_618 = arith.constant 5888 : index
    %get3A_619 = vector.load %arg2[%get3A_617, %get3A_618] : memref<1x8192xf32, #tpu.memory_space<vmem>>, vector<1x128xf32>
    %add3A_620 = vector.broadcast %get3A_6 : vector<512x1xf32> to vector<512x128xf32>
    %add3A_621 = vector.broadcast %get3A_619 : vector<1x128xf32> to vector<512x128xf32>
    %add3A_622 = arith.addf %add3A_620, %add3A_621 : vector<512x128xf32>
    %slice3A_623 = vector.extract_strided_slice %dot_general3A_434 {offsets = [0, 1792], sizes = [512, 128], strides = [1, 1]} : vector<512x2048xf32> to vector<512x128xf32>
    %add3A_624 = arith.addf %add3A_622, %slice3A_623 : vector<512x128xf32>
    %lt3A_625 = arith.cmpf olt, %add3A_624, %select_n3A_613 : vector<512x128xf32>
    %select_n3A_626 = arith.select %lt3A_625, %add3A_624, %select_n3A_613 : vector<512x128xi1>, vector<512x128xf32>
    %jit3A_627 = arith.constant 46 : i32
    %broadcast_in_dim3A_628 = vector.broadcast %jit3A_627 : i32 to vector<512x128xi32>
    %select_n3A_629 = arith.select %lt3A_625, %broadcast_in_dim3A_628, %select_n3A_616 : vector<512x128xi1>, vector<512x128xi32>
    %get3A_630 = arith.constant 0 : index
    %get3A_631 = arith.constant 6016 : index
    %get3A_632 = vector.load %arg2[%get3A_630, %get3A_631] : memref<1x8192xf32, #tpu.memory_space<vmem>>, vector<1x128xf32>
    %add3A_633 = vector.broadcast %get3A_6 : vector<512x1xf32> to vector<512x128xf32>
    %add3A_634 = vector.broadcast %get3A_632 : vector<1x128xf32> to vector<512x128xf32>
    %add3A_635 = arith.addf %add3A_633, %add3A_634 : vector<512x128xf32>
    %slice3A_636 = vector.extract_strided_slice %dot_general3A_434 {offsets = [0, 1920], sizes = [512, 128], strides = [1, 1]} : vector<512x2048xf32> to vector<512x128xf32>
    %add3A_637 = arith.addf %add3A_635, %slice3A_636 : vector<512x128xf32>
    %lt3A_638 = arith.cmpf olt, %add3A_637, %select_n3A_626 : vector<512x128xf32>
    %select_n3A_639 = arith.select %lt3A_638, %add3A_637, %select_n3A_626 : vector<512x128xi1>, vector<512x128xf32>
    %jit3A_640 = arith.constant 47 : i32
    %broadcast_in_dim3A_641 = vector.broadcast %jit3A_640 : i32 to vector<512x128xi32>
    %select_n3A_642 = arith.select %lt3A_638, %broadcast_in_dim3A_641, %select_n3A_629 : vector<512x128xi1>, vector<512x128xi32>
    %get3A_643 = arith.constant 6144 : index
    %get3A_644 = arith.constant 0 : index
    %get3A_645 = vector.load %arg4[%get3A_643, %get3A_644] : memref<8192x256xf32, #tpu.memory_space<vmem>>, vector<2048x256xf32>
    %dot_general3A_646 = arith.constant dense<0.000000e+00> : vector<512x2048xf32>
    %dot_general3A_647 = tpu.matmul %mul3A_3, %get3A_645, %dot_general3A_646 {dimension_numbers = #tpu.dot_dimension_numbers<[1], [1], [0], [0], [0, 0, 1, 0], [], []>, transpose_lhs_hint = false} : vector<512x256xf32>, vector<2048x256xf32>, vector<512x2048xf32> -> vector<512x2048xf32>
    %get3A_648 = arith.constant 0 : index
    %get3A_649 = arith.constant 6144 : index
    %get3A_650 = vector.load %arg2[%get3A_648, %get3A_649] : memref<1x8192xf32, #tpu.memory_space<vmem>>, vector<1x128xf32>
    %add3A_651 = vector.broadcast %get3A_6 : vector<512x1xf32> to vector<512x128xf32>
    %add3A_652 = vector.broadcast %get3A_650 : vector<1x128xf32> to vector<512x128xf32>
    %add3A_653 = arith.addf %add3A_651, %add3A_652 : vector<512x128xf32>
    %slice3A_654 = vector.extract_strided_slice %dot_general3A_647 {offsets = [0, 0], sizes = [512, 128], strides = [1, 1]} : vector<512x2048xf32> to vector<512x128xf32>
    %add3A_655 = arith.addf %add3A_653, %slice3A_654 : vector<512x128xf32>
    %lt3A_656 = arith.cmpf olt, %add3A_655, %select_n3A_639 : vector<512x128xf32>
    %select_n3A_657 = arith.select %lt3A_656, %add3A_655, %select_n3A_639 : vector<512x128xi1>, vector<512x128xf32>
    %jit3A_658 = arith.constant 48 : i32
    %broadcast_in_dim3A_659 = vector.broadcast %jit3A_658 : i32 to vector<512x128xi32>
    %select_n3A_660 = arith.select %lt3A_656, %broadcast_in_dim3A_659, %select_n3A_642 : vector<512x128xi1>, vector<512x128xi32>
    %get3A_661 = arith.constant 0 : index
    %get3A_662 = arith.constant 6272 : index
    %get3A_663 = vector.load %arg2[%get3A_661, %get3A_662] : memref<1x8192xf32, #tpu.memory_space<vmem>>, vector<1x128xf32>
    %add3A_664 = vector.broadcast %get3A_6 : vector<512x1xf32> to vector<512x128xf32>
    %add3A_665 = vector.broadcast %get3A_663 : vector<1x128xf32> to vector<512x128xf32>
    %add3A_666 = arith.addf %add3A_664, %add3A_665 : vector<512x128xf32>
    %slice3A_667 = vector.extract_strided_slice %dot_general3A_647 {offsets = [0, 128], sizes = [512, 128], strides = [1, 1]} : vector<512x2048xf32> to vector<512x128xf32>
    %add3A_668 = arith.addf %add3A_666, %slice3A_667 : vector<512x128xf32>
    %lt3A_669 = arith.cmpf olt, %add3A_668, %select_n3A_657 : vector<512x128xf32>
    %select_n3A_670 = arith.select %lt3A_669, %add3A_668, %select_n3A_657 : vector<512x128xi1>, vector<512x128xf32>
    %jit3A_671 = arith.constant 49 : i32
    %broadcast_in_dim3A_672 = vector.broadcast %jit3A_671 : i32 to vector<512x128xi32>
    %select_n3A_673 = arith.select %lt3A_669, %broadcast_in_dim3A_672, %select_n3A_660 : vector<512x128xi1>, vector<512x128xi32>
    %get3A_674 = arith.constant 0 : index
    %get3A_675 = arith.constant 6400 : index
    %get3A_676 = vector.load %arg2[%get3A_674, %get3A_675] : memref<1x8192xf32, #tpu.memory_space<vmem>>, vector<1x128xf32>
    %add3A_677 = vector.broadcast %get3A_6 : vector<512x1xf32> to vector<512x128xf32>
    %add3A_678 = vector.broadcast %get3A_676 : vector<1x128xf32> to vector<512x128xf32>
    %add3A_679 = arith.addf %add3A_677, %add3A_678 : vector<512x128xf32>
    %slice3A_680 = vector.extract_strided_slice %dot_general3A_647 {offsets = [0, 256], sizes = [512, 128], strides = [1, 1]} : vector<512x2048xf32> to vector<512x128xf32>
    %add3A_681 = arith.addf %add3A_679, %slice3A_680 : vector<512x128xf32>
    %lt3A_682 = arith.cmpf olt, %add3A_681, %select_n3A_670 : vector<512x128xf32>
    %select_n3A_683 = arith.select %lt3A_682, %add3A_681, %select_n3A_670 : vector<512x128xi1>, vector<512x128xf32>
    %jit3A_684 = arith.constant 50 : i32
    %broadcast_in_dim3A_685 = vector.broadcast %jit3A_684 : i32 to vector<512x128xi32>
    %select_n3A_686 = arith.select %lt3A_682, %broadcast_in_dim3A_685, %select_n3A_673 : vector<512x128xi1>, vector<512x128xi32>
    %get3A_687 = arith.constant 0 : index
    %get3A_688 = arith.constant 6528 : index
    %get3A_689 = vector.load %arg2[%get3A_687, %get3A_688] : memref<1x8192xf32, #tpu.memory_space<vmem>>, vector<1x128xf32>
    %add3A_690 = vector.broadcast %get3A_6 : vector<512x1xf32> to vector<512x128xf32>
    %add3A_691 = vector.broadcast %get3A_689 : vector<1x128xf32> to vector<512x128xf32>
    %add3A_692 = arith.addf %add3A_690, %add3A_691 : vector<512x128xf32>
    %slice3A_693 = vector.extract_strided_slice %dot_general3A_647 {offsets = [0, 384], sizes = [512, 128], strides = [1, 1]} : vector<512x2048xf32> to vector<512x128xf32>
    %add3A_694 = arith.addf %add3A_692, %slice3A_693 : vector<512x128xf32>
    %lt3A_695 = arith.cmpf olt, %add3A_694, %select_n3A_683 : vector<512x128xf32>
    %select_n3A_696 = arith.select %lt3A_695, %add3A_694, %select_n3A_683 : vector<512x128xi1>, vector<512x128xf32>
    %jit3A_697 = arith.constant 51 : i32
    %broadcast_in_dim3A_698 = vector.broadcast %jit3A_697 : i32 to vector<512x128xi32>
    %select_n3A_699 = arith.select %lt3A_695, %broadcast_in_dim3A_698, %select_n3A_686 : vector<512x128xi1>, vector<512x128xi32>
    %get3A_700 = arith.constant 0 : index
    %get3A_701 = arith.constant 6656 : index
    %get3A_702 = vector.load %arg2[%get3A_700, %get3A_701] : memref<1x8192xf32, #tpu.memory_space<vmem>>, vector<1x128xf32>
    %add3A_703 = vector.broadcast %get3A_6 : vector<512x1xf32> to vector<512x128xf32>
    %add3A_704 = vector.broadcast %get3A_702 : vector<1x128xf32> to vector<512x128xf32>
    %add3A_705 = arith.addf %add3A_703, %add3A_704 : vector<512x128xf32>
    %slice3A_706 = vector.extract_strided_slice %dot_general3A_647 {offsets = [0, 512], sizes = [512, 128], strides = [1, 1]} : vector<512x2048xf32> to vector<512x128xf32>
    %add3A_707 = arith.addf %add3A_705, %slice3A_706 : vector<512x128xf32>
    %lt3A_708 = arith.cmpf olt, %add3A_707, %select_n3A_696 : vector<512x128xf32>
    %select_n3A_709 = arith.select %lt3A_708, %add3A_707, %select_n3A_696 : vector<512x128xi1>, vector<512x128xf32>
    %jit3A_710 = arith.constant 52 : i32
    %broadcast_in_dim3A_711 = vector.broadcast %jit3A_710 : i32 to vector<512x128xi32>
    %select_n3A_712 = arith.select %lt3A_708, %broadcast_in_dim3A_711, %select_n3A_699 : vector<512x128xi1>, vector<512x128xi32>
    %get3A_713 = arith.constant 0 : index
    %get3A_714 = arith.constant 6784 : index
    %get3A_715 = vector.load %arg2[%get3A_713, %get3A_714] : memref<1x8192xf32, #tpu.memory_space<vmem>>, vector<1x128xf32>
    %add3A_716 = vector.broadcast %get3A_6 : vector<512x1xf32> to vector<512x128xf32>
    %add3A_717 = vector.broadcast %get3A_715 : vector<1x128xf32> to vector<512x128xf32>
    %add3A_718 = arith.addf %add3A_716, %add3A_717 : vector<512x128xf32>
    %slice3A_719 = vector.extract_strided_slice %dot_general3A_647 {offsets = [0, 640], sizes = [512, 128], strides = [1, 1]} : vector<512x2048xf32> to vector<512x128xf32>
    %add3A_720 = arith.addf %add3A_718, %slice3A_719 : vector<512x128xf32>
    %lt3A_721 = arith.cmpf olt, %add3A_720, %select_n3A_709 : vector<512x128xf32>
    %select_n3A_722 = arith.select %lt3A_721, %add3A_720, %select_n3A_709 : vector<512x128xi1>, vector<512x128xf32>
    %jit3A_723 = arith.constant 53 : i32
    %broadcast_in_dim3A_724 = vector.broadcast %jit3A_723 : i32 to vector<512x128xi32>
    %select_n3A_725 = arith.select %lt3A_721, %broadcast_in_dim3A_724, %select_n3A_712 : vector<512x128xi1>, vector<512x128xi32>
    %get3A_726 = arith.constant 0 : index
    %get3A_727 = arith.constant 6912 : index
    %get3A_728 = vector.load %arg2[%get3A_726, %get3A_727] : memref<1x8192xf32, #tpu.memory_space<vmem>>, vector<1x128xf32>
    %add3A_729 = vector.broadcast %get3A_6 : vector<512x1xf32> to vector<512x128xf32>
    %add3A_730 = vector.broadcast %get3A_728 : vector<1x128xf32> to vector<512x128xf32>
    %add3A_731 = arith.addf %add3A_729, %add3A_730 : vector<512x128xf32>
    %slice3A_732 = vector.extract_strided_slice %dot_general3A_647 {offsets = [0, 768], sizes = [512, 128], strides = [1, 1]} : vector<512x2048xf32> to vector<512x128xf32>
    %add3A_733 = arith.addf %add3A_731, %slice3A_732 : vector<512x128xf32>
    %lt3A_734 = arith.cmpf olt, %add3A_733, %select_n3A_722 : vector<512x128xf32>
    %select_n3A_735 = arith.select %lt3A_734, %add3A_733, %select_n3A_722 : vector<512x128xi1>, vector<512x128xf32>
    %jit3A_736 = arith.constant 54 : i32
    %broadcast_in_dim3A_737 = vector.broadcast %jit3A_736 : i32 to vector<512x128xi32>
    %select_n3A_738 = arith.select %lt3A_734, %broadcast_in_dim3A_737, %select_n3A_725 : vector<512x128xi1>, vector<512x128xi32>
    %get3A_739 = arith.constant 0 : index
    %get3A_740 = arith.constant 7040 : index
    %get3A_741 = vector.load %arg2[%get3A_739, %get3A_740] : memref<1x8192xf32, #tpu.memory_space<vmem>>, vector<1x128xf32>
    %add3A_742 = vector.broadcast %get3A_6 : vector<512x1xf32> to vector<512x128xf32>
    %add3A_743 = vector.broadcast %get3A_741 : vector<1x128xf32> to vector<512x128xf32>
    %add3A_744 = arith.addf %add3A_742, %add3A_743 : vector<512x128xf32>
    %slice3A_745 = vector.extract_strided_slice %dot_general3A_647 {offsets = [0, 896], sizes = [512, 128], strides = [1, 1]} : vector<512x2048xf32> to vector<512x128xf32>
    %add3A_746 = arith.addf %add3A_744, %slice3A_745 : vector<512x128xf32>
    %lt3A_747 = arith.cmpf olt, %add3A_746, %select_n3A_735 : vector<512x128xf32>
    %select_n3A_748 = arith.select %lt3A_747, %add3A_746, %select_n3A_735 : vector<512x128xi1>, vector<512x128xf32>
    %jit3A_749 = arith.constant 55 : i32
    %broadcast_in_dim3A_750 = vector.broadcast %jit3A_749 : i32 to vector<512x128xi32>
    %select_n3A_751 = arith.select %lt3A_747, %broadcast_in_dim3A_750, %select_n3A_738 : vector<512x128xi1>, vector<512x128xi32>
    %get3A_752 = arith.constant 0 : index
    %get3A_753 = arith.constant 7168 : index
    %get3A_754 = vector.load %arg2[%get3A_752, %get3A_753] : memref<1x8192xf32, #tpu.memory_space<vmem>>, vector<1x128xf32>
    %add3A_755 = vector.broadcast %get3A_6 : vector<512x1xf32> to vector<512x128xf32>
    %add3A_756 = vector.broadcast %get3A_754 : vector<1x128xf32> to vector<512x128xf32>
    %add3A_757 = arith.addf %add3A_755, %add3A_756 : vector<512x128xf32>
    %slice3A_758 = vector.extract_strided_slice %dot_general3A_647 {offsets = [0, 1024], sizes = [512, 128], strides = [1, 1]} : vector<512x2048xf32> to vector<512x128xf32>
    %add3A_759 = arith.addf %add3A_757, %slice3A_758 : vector<512x128xf32>
    %lt3A_760 = arith.cmpf olt, %add3A_759, %select_n3A_748 : vector<512x128xf32>
    %select_n3A_761 = arith.select %lt3A_760, %add3A_759, %select_n3A_748 : vector<512x128xi1>, vector<512x128xf32>
    %jit3A_762 = arith.constant 56 : i32
    %broadcast_in_dim3A_763 = vector.broadcast %jit3A_762 : i32 to vector<512x128xi32>
    %select_n3A_764 = arith.select %lt3A_760, %broadcast_in_dim3A_763, %select_n3A_751 : vector<512x128xi1>, vector<512x128xi32>
    %get3A_765 = arith.constant 0 : index
    %get3A_766 = arith.constant 7296 : index
    %get3A_767 = vector.load %arg2[%get3A_765, %get3A_766] : memref<1x8192xf32, #tpu.memory_space<vmem>>, vector<1x128xf32>
    %add3A_768 = vector.broadcast %get3A_6 : vector<512x1xf32> to vector<512x128xf32>
    %add3A_769 = vector.broadcast %get3A_767 : vector<1x128xf32> to vector<512x128xf32>
    %add3A_770 = arith.addf %add3A_768, %add3A_769 : vector<512x128xf32>
    %slice3A_771 = vector.extract_strided_slice %dot_general3A_647 {offsets = [0, 1152], sizes = [512, 128], strides = [1, 1]} : vector<512x2048xf32> to vector<512x128xf32>
    %add3A_772 = arith.addf %add3A_770, %slice3A_771 : vector<512x128xf32>
    %lt3A_773 = arith.cmpf olt, %add3A_772, %select_n3A_761 : vector<512x128xf32>
    %select_n3A_774 = arith.select %lt3A_773, %add3A_772, %select_n3A_761 : vector<512x128xi1>, vector<512x128xf32>
    %jit3A_775 = arith.constant 57 : i32
    %broadcast_in_dim3A_776 = vector.broadcast %jit3A_775 : i32 to vector<512x128xi32>
    %select_n3A_777 = arith.select %lt3A_773, %broadcast_in_dim3A_776, %select_n3A_764 : vector<512x128xi1>, vector<512x128xi32>
    %get3A_778 = arith.constant 0 : index
    %get3A_779 = arith.constant 7424 : index
    %get3A_780 = vector.load %arg2[%get3A_778, %get3A_779] : memref<1x8192xf32, #tpu.memory_space<vmem>>, vector<1x128xf32>
    %add3A_781 = vector.broadcast %get3A_6 : vector<512x1xf32> to vector<512x128xf32>
    %add3A_782 = vector.broadcast %get3A_780 : vector<1x128xf32> to vector<512x128xf32>
    %add3A_783 = arith.addf %add3A_781, %add3A_782 : vector<512x128xf32>
    %slice3A_784 = vector.extract_strided_slice %dot_general3A_647 {offsets = [0, 1280], sizes = [512, 128], strides = [1, 1]} : vector<512x2048xf32> to vector<512x128xf32>
    %add3A_785 = arith.addf %add3A_783, %slice3A_784 : vector<512x128xf32>
    %lt3A_786 = arith.cmpf olt, %add3A_785, %select_n3A_774 : vector<512x128xf32>
    %select_n3A_787 = arith.select %lt3A_786, %add3A_785, %select_n3A_774 : vector<512x128xi1>, vector<512x128xf32>
    %jit3A_788 = arith.constant 58 : i32
    %broadcast_in_dim3A_789 = vector.broadcast %jit3A_788 : i32 to vector<512x128xi32>
    %select_n3A_790 = arith.select %lt3A_786, %broadcast_in_dim3A_789, %select_n3A_777 : vector<512x128xi1>, vector<512x128xi32>
    %get3A_791 = arith.constant 0 : index
    %get3A_792 = arith.constant 7552 : index
    %get3A_793 = vector.load %arg2[%get3A_791, %get3A_792] : memref<1x8192xf32, #tpu.memory_space<vmem>>, vector<1x128xf32>
    %add3A_794 = vector.broadcast %get3A_6 : vector<512x1xf32> to vector<512x128xf32>
    %add3A_795 = vector.broadcast %get3A_793 : vector<1x128xf32> to vector<512x128xf32>
    %add3A_796 = arith.addf %add3A_794, %add3A_795 : vector<512x128xf32>
    %slice3A_797 = vector.extract_strided_slice %dot_general3A_647 {offsets = [0, 1408], sizes = [512, 128], strides = [1, 1]} : vector<512x2048xf32> to vector<512x128xf32>
    %add3A_798 = arith.addf %add3A_796, %slice3A_797 : vector<512x128xf32>
    %lt3A_799 = arith.cmpf olt, %add3A_798, %select_n3A_787 : vector<512x128xf32>
    %select_n3A_800 = arith.select %lt3A_799, %add3A_798, %select_n3A_787 : vector<512x128xi1>, vector<512x128xf32>
    %jit3A_801 = arith.constant 59 : i32
    %broadcast_in_dim3A_802 = vector.broadcast %jit3A_801 : i32 to vector<512x128xi32>
    %select_n3A_803 = arith.select %lt3A_799, %broadcast_in_dim3A_802, %select_n3A_790 : vector<512x128xi1>, vector<512x128xi32>
    %get3A_804 = arith.constant 0 : index
    %get3A_805 = arith.constant 7680 : index
    %get3A_806 = vector.load %arg2[%get3A_804, %get3A_805] : memref<1x8192xf32, #tpu.memory_space<vmem>>, vector<1x128xf32>
    %add3A_807 = vector.broadcast %get3A_6 : vector<512x1xf32> to vector<512x128xf32>
    %add3A_808 = vector.broadcast %get3A_806 : vector<1x128xf32> to vector<512x128xf32>
    %add3A_809 = arith.addf %add3A_807, %add3A_808 : vector<512x128xf32>
    %slice3A_810 = vector.extract_strided_slice %dot_general3A_647 {offsets = [0, 1536], sizes = [512, 128], strides = [1, 1]} : vector<512x2048xf32> to vector<512x128xf32>
    %add3A_811 = arith.addf %add3A_809, %slice3A_810 : vector<512x128xf32>
    %lt3A_812 = arith.cmpf olt, %add3A_811, %select_n3A_800 : vector<512x128xf32>
    %select_n3A_813 = arith.select %lt3A_812, %add3A_811, %select_n3A_800 : vector<512x128xi1>, vector<512x128xf32>
    %jit3A_814 = arith.constant 60 : i32
    %broadcast_in_dim3A_815 = vector.broadcast %jit3A_814 : i32 to vector<512x128xi32>
    %select_n3A_816 = arith.select %lt3A_812, %broadcast_in_dim3A_815, %select_n3A_803 : vector<512x128xi1>, vector<512x128xi32>
    %get3A_817 = arith.constant 0 : index
    %get3A_818 = arith.constant 7808 : index
    %get3A_819 = vector.load %arg2[%get3A_817, %get3A_818] : memref<1x8192xf32, #tpu.memory_space<vmem>>, vector<1x128xf32>
    %add3A_820 = vector.broadcast %get3A_6 : vector<512x1xf32> to vector<512x128xf32>
    %add3A_821 = vector.broadcast %get3A_819 : vector<1x128xf32> to vector<512x128xf32>
    %add3A_822 = arith.addf %add3A_820, %add3A_821 : vector<512x128xf32>
    %slice3A_823 = vector.extract_strided_slice %dot_general3A_647 {offsets = [0, 1664], sizes = [512, 128], strides = [1, 1]} : vector<512x2048xf32> to vector<512x128xf32>
    %add3A_824 = arith.addf %add3A_822, %slice3A_823 : vector<512x128xf32>
    %lt3A_825 = arith.cmpf olt, %add3A_824, %select_n3A_813 : vector<512x128xf32>
    %select_n3A_826 = arith.select %lt3A_825, %add3A_824, %select_n3A_813 : vector<512x128xi1>, vector<512x128xf32>
    %jit3A_827 = arith.constant 61 : i32
    %broadcast_in_dim3A_828 = vector.broadcast %jit3A_827 : i32 to vector<512x128xi32>
    %select_n3A_829 = arith.select %lt3A_825, %broadcast_in_dim3A_828, %select_n3A_816 : vector<512x128xi1>, vector<512x128xi32>
    %get3A_830 = arith.constant 0 : index
    %get3A_831 = arith.constant 7936 : index
    %get3A_832 = vector.load %arg2[%get3A_830, %get3A_831] : memref<1x8192xf32, #tpu.memory_space<vmem>>, vector<1x128xf32>
    %add3A_833 = vector.broadcast %get3A_6 : vector<512x1xf32> to vector<512x128xf32>
    %add3A_834 = vector.broadcast %get3A_832 : vector<1x128xf32> to vector<512x128xf32>
    %add3A_835 = arith.addf %add3A_833, %add3A_834 : vector<512x128xf32>
    %slice3A_836 = vector.extract_strided_slice %dot_general3A_647 {offsets = [0, 1792], sizes = [512, 128], strides = [1, 1]} : vector<512x2048xf32> to vector<512x128xf32>
    %add3A_837 = arith.addf %add3A_835, %slice3A_836 : vector<512x128xf32>
    %lt3A_838 = arith.cmpf olt, %add3A_837, %select_n3A_826 : vector<512x128xf32>
    %select_n3A_839 = arith.select %lt3A_838, %add3A_837, %select_n3A_826 : vector<512x128xi1>, vector<512x128xf32>
    %jit3A_840 = arith.constant 62 : i32
    %broadcast_in_dim3A_841 = vector.broadcast %jit3A_840 : i32 to vector<512x128xi32>
    %select_n3A_842 = arith.select %lt3A_838, %broadcast_in_dim3A_841, %select_n3A_829 : vector<512x128xi1>, vector<512x128xi32>
    %get3A_843 = arith.constant 0 : index
    %get3A_844 = arith.constant 8064 : index
    %get3A_845 = vector.load %arg2[%get3A_843, %get3A_844] : memref<1x8192xf32, #tpu.memory_space<vmem>>, vector<1x128xf32>
    %add3A_846 = vector.broadcast %get3A_6 : vector<512x1xf32> to vector<512x128xf32>
    %add3A_847 = vector.broadcast %get3A_845 : vector<1x128xf32> to vector<512x128xf32>
    %add3A_848 = arith.addf %add3A_846, %add3A_847 : vector<512x128xf32>
    %slice3A_849 = vector.extract_strided_slice %dot_general3A_647 {offsets = [0, 1920], sizes = [512, 128], strides = [1, 1]} : vector<512x2048xf32> to vector<512x128xf32>
    %add3A_850 = arith.addf %add3A_848, %slice3A_849 : vector<512x128xf32>
    %lt3A_851 = arith.cmpf olt, %add3A_850, %select_n3A_839 : vector<512x128xf32>
    %select_n3A_852 = arith.select %lt3A_851, %add3A_850, %select_n3A_839 : vector<512x128xi1>, vector<512x128xf32>
    %jit3A_853 = arith.constant 63 : i32
    %broadcast_in_dim3A_854 = vector.broadcast %jit3A_853 : i32 to vector<512x128xi32>
    %select_n3A_855 = arith.select %lt3A_851, %broadcast_in_dim3A_854, %select_n3A_842 : vector<512x128xi1>, vector<512x128xi32>
    %reduce_min3A = arith.constant dense<0x7F800000> : vector<512xf32>
    %reduce_min3A_856 = vector.multi_reduction <minimumf>, %select_n3A_852, %reduce_min3A [1] : vector<512x128xf32> to vector<512xf32>
    %broadcast_in_dim3A_857 = vector.shape_cast %reduce_min3A_856 : vector<512xf32> to vector<512x1xf32>
    %mul3A_858 = arith.constant 128 : i32
    %mul3A_859 = vector.broadcast %mul3A_858 : i32 to vector<512x128xi32>
    %mul3A_860 = arith.muli %select_n3A_855, %mul3A_859 : vector<512x128xi32>
    %iota3A = tpu.iota {dimensions = array<i32: 1>} : vector<512x128xi32>
    %add3A_861 = arith.addi %mul3A_860, %iota3A : vector<512x128xi32>
    %eq3A = vector.broadcast %broadcast_in_dim3A_857 : vector<512x1xf32> to vector<512x128xf32>
    %eq3A_862 = arith.cmpf oeq, %select_n3A_852, %eq3A : vector<512x128xf32>
    %jit3A_863 = arith.constant 1073741824 : i32
    %broadcast_in_dim3A_864 = vector.broadcast %jit3A_863 : i32 to vector<512x128xi32>
    %select_n3A_865 = arith.select %eq3A_862, %add3A_861, %broadcast_in_dim3A_864 : vector<512x128xi1>, vector<512x128xi32>
    %reduce_min3A_866 = arith.constant dense<2147483647> : vector<512xi32>
    %reduce_min3A_867 = vector.multi_reduction <minsi>, %select_n3A_865, %reduce_min3A_866 [1] : vector<512x128xi32> to vector<512xi32>
    %broadcast_in_dim3A_868 = vector.shape_cast %reduce_min3A_867 : vector<512xi32> to vector<512x1xi32>
    %swap3A = arith.constant 0 : index
    %swap3A_869 = arith.constant 0 : index
    %swap3A_870 = vector.load %arg5[%swap3A, %swap3A_869] : memref<512x1xi32, #tpu.memory_space<vmem>>, vector<512x1xi32>
    tpu.vector_store %arg5[%swap3A, %swap3A_869], %broadcast_in_dim3A_868 {strides = array<i32>} : memref<512x1xi32, #tpu.memory_space<vmem>>, vector<512x1xi32>,
    return
  }
  func.func @transform_0(%arg0: i32) -> (i32, i32) {
    %c0_i32 = arith.constant 0 : i32
    %c0_i32_0 = arith.constant 0 : i32
    return %arg0, %c0_i32 : i32, i32
  }
  func.func @transform_1(%arg0: i32) -> (i32, i32) {
    %c0_i32 = arith.constant 0 : i32
    %c0_i32_0 = arith.constant 0 : i32
    %c0_i32_1 = arith.constant 0 : i32
    return %c0_i32, %c0_i32_0 : i32, i32
  }
  func.func @transform_2(%arg0: i32) -> (i32, i32) {
    %c0_i32 = arith.constant 0 : i32
    %c0_i32_0 = arith.constant 0 : i32
    return %arg0, %c0_i32 : i32, i32
  }
  func.func @transform_3(%arg0: i32) -> (i32, i32) {
    %c0_i32 = arith.constant 0 : i32
    %c0_i32_0 = arith.constant 0 : i32
    %c0_i32_1 = arith.constant 0 : i32
    return %c0_i32, %c0_i32_0 : i32, i32
  }
  func.func @transform_4(%arg0: i32) -> (i32, i32) {
    %c0_i32 = arith.constant 0 : i32
    %c0_i32_0 = arith.constant 0 : i32
    return %arg0, %c0_i32 : i32, i32
  }
}

module attributes {stable_mosaic.version = 14 : i64} {
  func.func @_tail_body(%arg0: i32, %arg1: memref<32x8192xf32, #tpu.memory_space<vmem>>, %arg2: memref<1024x256xf32, #tpu.memory_space<vmem>>, %arg3: memref<1024x128xi32, #tpu.memory_space<vmem>>, %arg4: memref<1024x128xi32, #tpu.memory_space<vmem>>, %arg5: memref<1024x128xf32, #tpu.memory_space<vmem>>, %arg6: memref<1024x256xf32, #tpu.memory_space<vmem>>, %arg7: memref<1024x256xf32, #tpu.memory_space<vmem>>, %arg8: memref<1024x256xf32, #tpu.memory_space<vmem>>, %arg9: memref<1x1xf32, #tpu.memory_space<vmem>>) attributes {dimension_semantics = [#tpu.dimension_semantics<arbitrary>], iteration_bounds = array<i64: 16>, scalar_prefetch = 0 : i64, scratch_operands = 0 : i64, tpu.core_type = #tpu.core_type<tc>, window_params = [{pipeline_mode = #tpu.pipeline_mode<synchronous>, transform_indices = @transform_0, window_bounds = array<i64: 32, 8192>}, {transform_indices = @transform_1, window_bounds = array<i64: 1024, 256>}, {transform_indices = @transform_2, window_bounds = array<i64: 1024, 128>}, {transform_indices = @transform_3, window_bounds = array<i64: 1024, 128>}, {transform_indices = @transform_4, window_bounds = array<i64: 1024, 128>}, {transform_indices = @transform_5, window_bounds = array<i64: 1024, 256>}, {transform_indices = @transform_6, window_bounds = array<i64: 1024, 256>}, {transform_indices = @transform_7, window_bounds = array<i64: 1024, 256>}, {pipeline_mode = #tpu.pipeline_mode<synchronous>, transform_indices = @transform_8, window_bounds = array<i64: 1, 1>}]} {
    %get3A = arith.constant 0 : index
    %get3A_0 = arith.constant 0 : index
    %get3A_1 = vector.load %arg2[%get3A, %get3A_0] : memref<1024x256xf32, #tpu.memory_space<vmem>>, vector<1024x256xf32>
    %get3A_2 = arith.constant 0 : index
    %get3A_3 = arith.constant 0 : index
    %get3A_4 = vector.load %arg5[%get3A_2, %get3A_3] : memref<1024x128xf32, #tpu.memory_space<vmem>>, vector<1024x1xf32>
    %get3A_5 = arith.constant 0 : index
    %get3A_6 = arith.constant 0 : index
    %get3A_7 = vector.load %arg3[%get3A_5, %get3A_6] : memref<1024x128xi32, #tpu.memory_space<vmem>>, vector<1024x128xi32>
    %shift_left3A = arith.constant 16 : i32
    %shift_left3A_8 = vector.broadcast %shift_left3A : i32 to vector<1024x128xi32>
    %shift_left3A_9 = arith.shli %get3A_7, %shift_left3A_8 : vector<1024x128xi32>
    %bitcast_convert_type3A = tpu.bitcast %shift_left3A_9 : vector<1024x128xi32> -> vector<1024x128xf32>
    %and3A = arith.constant -65536 : i32
    %and3A_10 = vector.broadcast %and3A : i32 to vector<1024x128xi32>
    %and3A_11 = arith.andi %get3A_7, %and3A_10 : vector<1024x128xi32>
    %bitcast_convert_type3A_12 = tpu.bitcast %and3A_11 : vector<1024x128xi32> -> vector<1024x128xf32>
    %concatenate3A = tpu.concatenate %bitcast_convert_type3A, %bitcast_convert_type3A_12 in 1 : vector<1024x128xf32>, vector<1024x128xf32> -> vector<1024x256xf32>
    %sub3A = arith.subf %concatenate3A, %get3A_1 : vector<1024x256xf32>
    %get3A_13 = arith.constant 0 : index
    %get3A_14 = arith.constant 0 : index
    %get3A_15 = vector.load %arg6[%get3A_13, %get3A_14] : memref<1024x256xf32, #tpu.memory_space<vmem>>, vector<1024x256xf32>
    %add3A = arith.addf %get3A_15, %sub3A : vector<1024x256xf32>
    %mul3A = arith.mulf %add3A, %add3A : vector<1024x256xf32>
    %reduce_sum3A = arith.constant dense<0.000000e+00> : vector<1024xf32>
    %reduce_sum3A_16 = vector.multi_reduction <add>, %mul3A, %reduce_sum3A [1] : vector<1024x256xf32> to vector<1024xf32>
    %broadcast_in_dim3A = vector.shape_cast %reduce_sum3A_16 : vector<1024xf32> to vector<1024x1xf32>
    %sqrt3A = math.sqrt %broadcast_in_dim3A : vector<1024x1xf32>
    %max3A = arith.constant 9.99999996E-13 : f32
    %max3A_17 = vector.broadcast %max3A : f32 to vector<1024x1xf32>
    %max3A_18 = arith.maximumf %sqrt3A, %max3A_17 : vector<1024x1xf32>
    %div3A = vector.broadcast %max3A_18 : vector<1024x1xf32> to vector<1024x256xf32>
    %div3A_19 = arith.divf %add3A, %div3A : vector<1024x256xf32>
    %mul3A_20 = arith.mulf %sub3A, %sub3A : vector<1024x256xf32>
    %reduce_sum3A_21 = arith.constant dense<0.000000e+00> : vector<1024xf32>
    %reduce_sum3A_22 = vector.multi_reduction <add>, %mul3A_20, %reduce_sum3A_21 [1] : vector<1024x256xf32> to vector<1024xf32>
    %broadcast_in_dim3A_23 = vector.shape_cast %reduce_sum3A_22 : vector<1024xf32> to vector<1024x1xf32>
    %sqrt3A_24 = math.sqrt %broadcast_in_dim3A_23 : vector<1024x1xf32>
    %get3A_25 = arith.constant 0 : index
    %get3A_26 = arith.constant 0 : index
    %get3A_27 = vector.load %arg4[%get3A_25, %get3A_26] : memref<1024x128xi32, #tpu.memory_space<vmem>>, vector<1024x128xi32>
    %shift_left3A_28 = arith.constant 16 : i32
    %shift_left3A_29 = vector.broadcast %shift_left3A_28 : i32 to vector<1024x128xi32>
    %shift_left3A_30 = arith.shli %get3A_27, %shift_left3A_29 : vector<1024x128xi32>
    %bitcast_convert_type3A_31 = tpu.bitcast %shift_left3A_30 : vector<1024x128xi32> -> vector<1024x128xf32>
    %and3A_32 = arith.constant -65536 : i32
    %and3A_33 = vector.broadcast %and3A_32 : i32 to vector<1024x128xi32>
    %and3A_34 = arith.andi %get3A_27, %and3A_33 : vector<1024x128xi32>
    %bitcast_convert_type3A_35 = tpu.bitcast %and3A_34 : vector<1024x128xi32> -> vector<1024x128xf32>
    %concatenate3A_36 = tpu.concatenate %bitcast_convert_type3A_31, %bitcast_convert_type3A_35 in 1 : vector<1024x128xf32>, vector<1024x128xf32> -> vector<1024x256xf32>
    %sub3A_37 = arith.subf %concatenate3A_36, %get3A_1 : vector<1024x256xf32>
    %get3A_38 = arith.constant 0 : index
    %get3A_39 = arith.constant 0 : index
    %get3A_40 = vector.load %arg7[%get3A_38, %get3A_39] : memref<1024x256xf32, #tpu.memory_space<vmem>>, vector<1024x256xf32>
    %add3A_41 = arith.addf %get3A_40, %sub3A_37 : vector<1024x256xf32>
    %mul3A_42 = arith.mulf %add3A_41, %add3A_41 : vector<1024x256xf32>
    %reduce_sum3A_43 = arith.constant dense<0.000000e+00> : vector<1024xf32>
    %reduce_sum3A_44 = vector.multi_reduction <add>, %mul3A_42, %reduce_sum3A_43 [1] : vector<1024x256xf32> to vector<1024xf32>
    %broadcast_in_dim3A_45 = vector.shape_cast %reduce_sum3A_44 : vector<1024xf32> to vector<1024x1xf32>
    %sqrt3A_46 = math.sqrt %broadcast_in_dim3A_45 : vector<1024x1xf32>
    %max3A_47 = arith.constant 9.99999996E-13 : f32
    %max3A_48 = vector.broadcast %max3A_47 : f32 to vector<1024x1xf32>
    %max3A_49 = arith.maximumf %sqrt3A_46, %max3A_48 : vector<1024x1xf32>
    %div3A_50 = vector.broadcast %max3A_49 : vector<1024x1xf32> to vector<1024x256xf32>
    %div3A_51 = arith.divf %add3A_41, %div3A_50 : vector<1024x256xf32>
    %mul3A_52 = arith.mulf %sub3A_37, %sub3A_37 : vector<1024x256xf32>
    %reduce_sum3A_53 = arith.constant dense<0.000000e+00> : vector<1024xf32>
    %reduce_sum3A_54 = vector.multi_reduction <add>, %mul3A_52, %reduce_sum3A_53 [1] : vector<1024x256xf32> to vector<1024xf32>
    %broadcast_in_dim3A_55 = vector.shape_cast %reduce_sum3A_54 : vector<1024xf32> to vector<1024x1xf32>
    %sqrt3A_56 = math.sqrt %broadcast_in_dim3A_55 : vector<1024x1xf32>
    %sub3A_57 = arith.constant 1.000000e+00 : f32
    %sub3A_58 = vector.broadcast %sub3A_57 : f32 to vector<1024x1xf32>
    %sub3A_59 = arith.subf %sub3A_58, %get3A_4 : vector<1024x1xf32>
    %mul3A_60 = vector.broadcast %sub3A_59 : vector<1024x1xf32> to vector<1024x256xf32>
    %mul3A_61 = arith.mulf %mul3A_60, %div3A_19 : vector<1024x256xf32>
    %mul3A_62 = vector.broadcast %sqrt3A_24 : vector<1024x1xf32> to vector<1024x256xf32>
    %mul3A_63 = arith.mulf %mul3A_62, %mul3A_61 : vector<1024x256xf32>
    %add3A_64 = arith.addf %get3A_1, %mul3A_63 : vector<1024x256xf32>
    %mul3A_65 = vector.broadcast %get3A_4 : vector<1024x1xf32> to vector<1024x256xf32>
    %mul3A_66 = arith.mulf %mul3A_65, %div3A_51 : vector<1024x256xf32>
    %mul3A_67 = vector.broadcast %sqrt3A_56 : vector<1024x1xf32> to vector<1024x256xf32>
    %mul3A_68 = arith.mulf %mul3A_67, %mul3A_66 : vector<1024x256xf32>
    %add3A_69 = arith.addf %add3A_64, %mul3A_68 : vector<1024x256xf32>
    %swap3A = arith.constant 0 : index
    %swap3A_70 = arith.constant 0 : index
    %swap3A_71 = vector.load %arg8[%swap3A, %swap3A_70] : memref<1024x256xf32, #tpu.memory_space<vmem>>, vector<1024x256xf32>
    tpu.vector_store %arg8[%swap3A, %swap3A_70], %add3A_69 {strides = array<i32>} : memref<1024x256xf32, #tpu.memory_space<vmem>>, vector<1024x256xf32>,
    %eq3A = arith.constant 0 : i32
    %eq3A_72 = arith.cmpi eq, %arg0, %eq3A : i32
    %convert_element_type3A = arith.extui %eq3A_72 : i1 to i32
    %cond3A = arith.constant 0 : i32
    %cond3A_73 = arith.cmpi ne, %convert_element_type3A, %cond3A : i32
    scf.if %cond3A_73 {
      %get3A_74 = arith.constant 0 : index
      %get3A_75 = arith.constant 0 : index
      %get3A_76 = vector.load %arg1[%get3A_74, %get3A_75] : memref<32x8192xf32, #tpu.memory_space<vmem>>, vector<32x8192xf32>
      %reduce_sum3A_77 = arith.constant dense<0.000000e+00> : vector<8192xf32>
      %reduce_sum3A_78 = vector.multi_reduction <add>, %get3A_76, %reduce_sum3A_77 [0] : vector<32x8192xf32> to vector<8192xf32>
      %broadcast_in_dim3A_79 = vector.shape_cast %reduce_sum3A_78 : vector<8192xf32> to vector<1x8192xf32>
      %mul3A_80 = arith.constant 6.10351563E-5 : f32
      %mul3A_81 = vector.broadcast %mul3A_80 : f32 to vector<1x8192xf32>
      %mul3A_82 = arith.mulf %broadcast_in_dim3A_79, %mul3A_81 : vector<1x8192xf32>
      %add3A_83 = arith.constant 1.000000e-10 : f32
      %add3A_84 = vector.broadcast %add3A_83 : f32 to vector<1x8192xf32>
      %add3A_85 = arith.addf %mul3A_82, %add3A_84 : vector<1x8192xf32>
      %log3A = math.log %add3A_85 : vector<1x8192xf32>
      %mul3A_86 = arith.mulf %mul3A_82, %log3A : vector<1x8192xf32>
      %reduce_sum3A_87 = vector.shape_cast %mul3A_86 : vector<1x8192xf32> to vector<1x1x8192xf32>
      %reduce_sum3A_88 = arith.constant dense<0.000000e+00> : vector<1xf32>
      %reduce_sum3A_89 = vector.multi_reduction <add>, %reduce_sum3A_87, %reduce_sum3A_88 [1, 2] : vector<1x1x8192xf32> to vector<1xf32>
      %reduce_sum3A_90 = vector.shape_cast %reduce_sum3A_89 : vector<1xf32> to vector<1x1x1xf32>
      %reduce_sum3A_91 = vector.extract %reduce_sum3A_90[0, 0, 0] : f32 from vector<1x1x1xf32>
      %neg3A = arith.constant 0.000000e+00 : f32
      %neg3A_92 = arith.subf %neg3A, %reduce_sum3A_91 : f32
      %exp3A = math.exp %neg3A_92 : f32
      %broadcast_in_dim3A_93 = vector.broadcast %exp3A : f32 to vector<1x1xf32>
      %swap3A_94 = arith.constant 0 : index
      %swap3A_95 = arith.constant 0 : index
      %swap3A_96 = vector.load %arg9[%swap3A_94, %swap3A_95] : memref<1x1xf32, #tpu.memory_space<vmem>>, vector<1x1xf32>
      tpu.vector_store %arg9[%swap3A_94, %swap3A_95], %broadcast_in_dim3A_93 {strides = array<i32>} : memref<1x1xf32, #tpu.memory_space<vmem>>, vector<1x1xf32>,
    } else {
    }
    return
  }
  func.func @transform_0(%arg0: i32) -> (i32, i32) {
    %c0_i32 = arith.constant 0 : i32
    %c0_i32_0 = arith.constant 0 : i32
    %c0_i32_1 = arith.constant 0 : i32
    return %c0_i32, %c0_i32_0 : i32, i32
  }
  func.func @transform_1(%arg0: i32) -> (i32, i32) {
    %c0_i32 = arith.constant 0 : i32
    %c0_i32_0 = arith.constant 0 : i32
    return %arg0, %c0_i32 : i32, i32
  }
  func.func @transform_2(%arg0: i32) -> (i32, i32) {
    %c0_i32 = arith.constant 0 : i32
    %c0_i32_0 = arith.constant 0 : i32
    return %arg0, %c0_i32 : i32, i32
  }
  func.func @transform_3(%arg0: i32) -> (i32, i32) {
    %c0_i32 = arith.constant 0 : i32
    %c0_i32_0 = arith.constant 0 : i32
    return %arg0, %c0_i32 : i32, i32
  }
  func.func @transform_4(%arg0: i32) -> (i32, i32) {
    %c0_i32 = arith.constant 0 : i32
    %c0_i32_0 = arith.constant 0 : i32
    return %arg0, %c0_i32 : i32, i32
  }
  func.func @transform_5(%arg0: i32) -> (i32, i32) {
    %c0_i32 = arith.constant 0 : i32
    %c0_i32_0 = arith.constant 0 : i32
    return %arg0, %c0_i32 : i32, i32
  }
  func.func @transform_6(%arg0: i32) -> (i32, i32) {
    %c0_i32 = arith.constant 0 : i32
    %c0_i32_0 = arith.constant 0 : i32
    return %arg0, %c0_i32 : i32, i32
  }
  func.func @transform_7(%arg0: i32) -> (i32, i32) {
    %c0_i32 = arith.constant 0 : i32
    %c0_i32_0 = arith.constant 0 : i32
    return %arg0, %c0_i32 : i32, i32
  }
  func.func @transform_8(%arg0: i32) -> (i32, i32) {
    %c0_i32 = arith.constant 0 : i32
    %c0_i32_0 = arith.constant 0 : i32
    %c0_i32_1 = arith.constant 0 : i32
    return %c0_i32, %c0_i32_0 : i32, i32
  }
}

</mosaic_0001>

<sc_bundles>
// kernel: kernel.7.cloned.1.call-start
scs
__scs_entry_jumppad:
0x0: {  	(pc) =	sbr.rel $0x88, $3  }
0x1: {  	(tag) =	ssettag $0x0;
	lr =	simm.s32 $0x1  }
0x2: {  	[smem:$0x3F9F] =	sst lr;
	_ =	strace $0xD0000000  }
0x3: {  	_ = 	snop  }
0x4: {  	_ = 	snop  }
0x5: {  	_ = 	snop  }
0x6: {  	_ = 	snop  }
0x7: {  	_ = 	snop  }
__scs_overlays_trampoline_lowered:
0x8: {  	[smem:$0x3FAE] =	sst s0  }
0x9: {  	[smem:$0x3FAF] =	sst s1  }
0xa: {  	[smem:$0x3FB0] =	sst s2  }
0xb: {  	[smem:$0x3FB1] =	sst s3  }
0xc: {  	[smem:$0x3FB2] =	sst s4  }
0xd: {  	[smem:$0x3FB3] =	sst s5  }
0xe: {  	[smem:$0x3FB4] =	sst s6  }
0xf: {  	[smem:$0x3FB5] =	sst s7  }
0x10: {  	[smem:$0x3FB6] =	sst s8  }
0x11: {  	[smem:$0x3FB7] =	sst s9;
	s0 =	simm.s32 @!p0 $0x0  }
0x12: {  	s1 =	sld [smem:$0x3F9D];
	s0 =	simm.s32 @p0 $0x1  }
0x13: {  	[smem:$0x3FB8] =	sst s0;
	s0 =	simm.s32 @!p1 $0x0  }
0x14: {  	s2 =	sld [smem:$0x3F9C];
	s0 =	simm.s32 @p1 $0x1  }
0x15: {  	[smem:$0x3FB9] =	sst s0;
	s0 =	simm.s32 @!p2 $0x0  }
0x16: {  	s3 =	sld [smem:$0x3FDB];
	s0 =	simm.s32 @p2 $0x1  }
0x17: {  	s4 =	simm.s32 $0x1BF5;
	[smem:$0x3FBB] =	sst s0  }
0x18: {  	s0 =	sld [smem:$0x3F9E];
	_ =	swait.ge [sflag:s4], $0x0  }
0x19: {  	s7 =	sld [smem:$0x3F9F]  }
0x1a: {  	s8 =	sadd.s32 $0xFFFFE003, lr  }
0x1b: {  	s9 =	sadd.s32 $0xFFFFFEF7, lr;
	s5 =	simm.s32 $0xFFFFFFFF;
	p2 =	slt.u32 s8, $0xFFFFF086  }
0x1c: {  	p1 =	slt.u32 s9, $0xF7A;
	s5 =	simm.s32 @!p2 $0x0  }
0x1d: {  	s5 =	simm.s32 @p1 $0x1;
	p0 =	seq.s32 s7, s2  }
0x1e: {  	s7 =	smul.u32 @!p0 $0xF7A, s2;
	p2 =	seq.s32 @!p0 s5, $0x0  }
0x1f: {  	s9 =	smul.u32 $0xF7A, s1;
	s8 =	simm.s32 @!p0 $0x1BF5;
	p2 =	por !p2, p0  }
0x20: {  	[sflag:s8] =	ssyncset.s32 @!p0 $0xFFFFF086;
	s6 =	sadd.s32 @!p0 s3, s7;
	s7 =	simm.s32 @!p0 $0x108  }
0x21: {  	s3 =	sadd.s32 s3, s9;
	s6 =	sadd.s32 @!p0 $0x88, s6;
	s7 =	simm.s32 @p2 $0x1082  }
0x22: {  	[simem:s7], [sflag:s8] =	dma.local @!p0 [hbm:s6], $0xF7A  }
0x23: {  	s9 =	sor.u32 $0xD0000000, s2;
	s6 =	simm.s32 $0x108;
	_ =	swait.ge @!p0 [sflag:s8], $0x0  }
0x24: {  	s3 =	sadd.s32 $0x88, s3;
	s6 =	simm.s32 @!p1 $0x1082;
	[sflag:s4] =	ssyncset.s32 $0xFFFFF086  }
0x25: {  	[simem:s6], [sflag:s4] =	dma.local [hbm:s3], $0xF7A  }
0x26: {  	[smem:$0x3F9F] =	sst s1;
	(tag) =	ssettag s2;
	_ =	strace s9  }
0x27: {  	s1 =	sld [smem:$0x3FAF]  }
0x28: {  	s2 =	sld [smem:$0x3FB0]  }
0x29: {  	s4 =	sld [smem:$0x3FB2]  }
0x2a: {  	p0 =	seq.s32 s5, $0x0;
	s5 =	sld [smem:$0x3FB3]  }
0x2b: {  	s6 =	sld [smem:$0x3FB4]  }
0x2c: {  	s7 =	sld [smem:$0x3FB5]  }
0x2d: {  	s3 =	simm.s32 $0x108;
	s8 =	sld [smem:$0x3FB6]  }
0x2e: {  	s3 =	simm.s32 @!p0 $0x1082;
	s9 =	sld [smem:$0x3FB7]  }
0x2f: {  	lr =	sadd.s32 s0, s3;
	s0 =	sld [smem:$0x3FAE]  }
0x30: {  	s3 =	sld [smem:$0x3FB1]  }
0x31: {  	[smem:$0x3FBA] =	sst s10  }
0x32: {  	s10 =	sld [smem:$0x3FB8];
	_ =	sdelay $0x3  }
0x33: {  	p0 =	seq.s32 s10, $0x1;
	s10 =	sld [smem:$0x3FBA];
	_ =	sdelay $0x3  }
0x34: {  	[smem:$0x3FBA] =	sst s10  }
0x35: {  	s10 =	sld [smem:$0x3FB9];
	_ =	sdelay $0x3  }
0x36: {  	p1 =	seq.s32 s10, $0x1;
	s10 =	sld [smem:$0x3FBA];
	_ =	sdelay $0x3  }
0x37: {  	[smem:$0x3FBA] =	sst s10  }
0x38: {  	s10 =	sld [smem:$0x3FBB]  }
0x39: {  	_ = 	snop;
	(pc) =	sbr.ind lr, $3  }
0x3a: {  	_ = 	snop  }
0x3b: {  	_ = 	snop  }
0x3c: {  	p2 =	seq.s32 s10, $0x1;
	s10 =	sld [smem:$0x3FBA]  }
0x3d: {  	_ =	shalt  }
0x3e: {  	_ =	shalt  }
0x3f: {  	_ =	shalt  }
0x40: {  	_ =	shalt  }
0x41: {  	_ =	shalt  }
0x42: {  	_ =	shalt  }
0x43: {  	_ =	shalt  }
0x44: {  	_ =	shalt  }
0x45: {  	_ =	shalt  }
0x46: {  	_ =	shalt  }
0x47: {  	_ =	shalt  }
0x48: {  	_ =	shalt  }
0x49: {  	_ =	shalt  }
0x4a: {  	_ =	shalt  }
0x4b: {  	_ =	shalt  }
0x4c: {  	_ =	shalt  }
0x4d: {  	_ =	shalt  }
0x4e: {  	_ =	shalt  }
0x4f: {  	_ =	shalt  }
0x50: {  	_ =	shalt  }
0x51: {  	_ =	shalt  }
0x52: {  	_ =	shalt  }
0x53: {  	_ =	shalt  }
0x54: {  	_ =	shalt  }
0x55: {  	_ =	shalt  }
0x56: {  	_ =	shalt  }
0x57: {  	_ =	shalt  }
0x58: {  	_ =	shalt  }
0x59: {  	_ =	shalt  }
0x5a: {  	_ =	shalt  }
0x5b: {  	_ =	shalt  }
0x5c: {  	_ =	shalt  }
0x5d: {  	_ =	shalt  }
0x5e: {  	_ =	shalt  }
0x5f: {  	_ =	shalt  }
0x60: {  	_ =	shalt  }
0x61: {  	_ =	shalt  }
0x62: {  	_ =	shalt  }
0x63: {  	_ =	shalt  }
0x64: {  	_ =	shalt  }
0x65: {  	_ =	shalt  }
0x66: {  	_ =	shalt  }
0x67: {  	_ =	shalt  }
0x68: {  	_ =	shalt  }
0x69: {  	_ =	shalt  }
0x6a: {  	_ =	shalt  }
0x6b: {  	_ =	shalt  }
0x6c: {  	_ =	shalt  }
0x6d: {  	_ =	shalt  }
0x6e: {  	_ =	shalt  }
0x6f: {  	_ =	shalt  }
0x70: {  	_ =	shalt  }
0x71: {  	_ =	shalt  }
0x72: {  	_ =	shalt  }
0x73: {  	_ =	shalt  }
0x74: {  	_ =	shalt  }
0x75: {  	_ =	shalt  }
0x76: {  	_ =	shalt  }
0x77: {  	_ =	shalt  }
0x78: {  	_ =	shalt  }
0x79: {  	_ =	shalt  }
0x7a: {  	_ =	shalt  }
0x7b: {  	_ =	shalt  }
0x7c: {  	_ =	shalt  }
0x7d: {  	_ =	shalt  }
0x7e: {  	_ =	shalt  }
0x7f: {  	_ =	shalt  }
0x80: {  	_ =	shalt  }
0x81: {  	_ =	shalt  }
0x82: {  	_ =	shalt  }
0x83: {  	_ =	shalt  }
0x84: {  	_ =	shalt  }
0x85: {  	_ =	shalt  }
0x86: {  	_ =	shalt  }
0x87: {  	_ =	shalt  }
.Lfunc_end0:
.L_simem_size_0:
called_computation_lowered:
.L_overlay_start_0:
0x88: {  	s2 =	sld [smem:$0x3FD9]  }
0x89: {  	s3 =	sld [smem:$0x3FFE];
	_ =	sdelay $0x1  }
0x8a: {  	s1 =	srdreg.scid  }
0x8b: {  	s0 =	sand.u32 $0x1, s1  }
0x8c: {  	s14 =	sshll.u32 s0, $0xA;
	s2 =	sadd.s32 s3, s2  }
0x8d: {  	s2 =	sadd.s32 s2, s14  }
0x8e: {  	[smem:$0x3FC6] =	sst s2  }
0x8f: {  	_ = 	snop  }
0x90: {  	s2 =	sld [smem:$0x3FD0];
	_ =	sdelay $0x2  }
0x91: {  	s15 =	simm.s32 $0xA;
	s4 =	simm.s32 $0x10  }
0x92: {  	[smem:s4], [sflag:s15] =	dma.local [hbm:s2], $0x1  }
0x93: {  	_ =	swait.eq [sflag:s15], $0x1  }
0x94: {  	[sflag:s15] =	ssyncset.done $0x0  }
0x95: {  	s16 =	sld [smem:$0x10];
	[sflag:s15] =	ssyncadd.s32 $0xFFFFFFFF  }
0x96: {  	s17 =	sld [smem:$0x11];
	(tm) =	ssettm $0x1  }
0x97: {  	s18 =	sld [smem:$0x3FFB];
	_ =	sdelay $0x3  }
0x98: {  	_ =	strace s18  }
0x99: {  	s4 =	sld [smem:$0x3FFC];
	_ =	sdelay $0x3  }
0x9a: {  	_ =	strace s4  }
0x9b: {  	s4 =	sld [smem:$0x3FFD];
	_ =	sdelay $0x3  }
0x9c: {  	_ =	strace s4  }
0x9d: {  	_ =	strace $0x8FFFFFFF  }
0x9e: {  	s19 =	sld [smem:$0x3FDB];
	_ =	sdelay $0x1  }
0x9f: {  	s5 =	simm.s32 $_scs_section_size  }
0xa0: {  	s6 =	simm.s32 $_size__tile_overlayer_lowered;
	s7 =	simm.s32 $_tile_overlayer_lowered  }
0xa1: {  	s22 =	simm.s32 $0x1BFF;
	s21 =	sshll.u32 s7, $0x1;
	s4 =	sadd.s32 s5, s19  }
0xa2: {  	s8 =	simm.s32 $0x0;
	s20 =	sshll.u32 s6, $0x1;
	s6 =	sadd.s32 s21, s4  }
0xa3: {  	[timem:s8], [sflag:s22] =	dma.local [hbm:s6], s20  }
0xa4: {  	_ =	swait.ge [sflag:s22], s20  }
0xa5: {  	s5 =	ssub.s32 $0x0, s20;
	[sflag:s22] =	ssyncset.done $0x0  }
0xa6: {  	[sflag:s22] =	ssyncadd.s32 s5;
	_ =	sdelay $0x1  }
0xa7: {  	s23 =	simm.s32 $0x1B8B  }
0xa8: {  	_ =	swait.ge [sflag:s23], $0x1  }
0xa9: {  	[sflag:s23] =	ssyncset.done $0x0  }
0xaa: {  	s25 =	simm.s32 $0x1B8E;
	s24 =	sld [smem:$0x3FFE];
	[sflag:s23] =	ssyncadd.s32 $0xFFFFFFFF  }
0xab: {  	s26 =	simm.s32 $execute0_lowered;
	[smem:$0x3FD2] =	sst s25  }
0xac: {  	s6 =	sshll.u32 s26, $0x1;
	_ =	strace $0x80000046;
	[dreg:$0x1] =	wrdreg $0xFFFFFFFF  }
0xad: {  	s28 =	simm.s32 $_size_execute0_lowered;
	s4 =	sadd.s32 s4, s6;
	[dreg:$0x0] =	wrdreg $0x0  }
0xae: {  	s6 =	sshll.u32 s28, $0x1;
	[dreg:$0x2] =	wrdreg s4  }
0xaf: {  	[dreg:$0x3] =	wrdreg s6  }
0xb0: {  	[dreg:$0x4] =	wrdreg $0xC0  }
0xb1: {  	_ =	task [dreg:s8], $0x5FFFF  }
0xb2: {  	[dreg:$0x1] =	wrdreg $0xFFFFFFFF  }
0xb3: {  	[dreg:$0x0] =	wrdreg $0x60  }
0xb4: {  	[dreg:$0x2] =	wrdreg s17  }
0xb5: {  	[dreg:$0x3] =	wrdreg s24  }
0xb6: {  	[dreg:$0x4] =	wrdreg s16  }
0xb7: {  	[dreg:$0x5] =	wrdreg $0x9  }
0xb8: {  	_ =	task.clear_ibuf [dreg:s8], $0x6FFFF;
	_ =	strace $0x90000046  }
0xb9: {  	s29 =	simm.s32 $0x9;
	_ =	strace $0x80000048  }
0xba: {  	_ =	swait.ge [sflag:s29], $0x1  }
0xbb: {  	[sflag:s29] =	ssyncadd.s32 $0xFFFFFFFF  }
0xbc: {  	_ =	strace $0x90000048  }
0xbd: {  	_ =	sfence  }
0xbe: {  	s30 =	sld [smem:$0x0];
	_ =	sdelay $0x2  }
0xbf: {  	s31 =	sshll.u32 s1, $0xD;
	s1 =	sshrl.u32 s1, $0x2  }
0xc0: {  	s3 =	sand.u32 $0x4000, s31;
	s1 =	sadd.s32 s1, s30  }
0xc1: {  	s0 =	sor.u32 s3, s0;
	s1 =	sshll.u32 s1, $0x11  }
0xc2: {  	s0 =	sor.u32 s1, s0  }
0xc3: {  	s0 =	sadd.s32 $0x8F2B, s0  }
0xc4: {  	[sflag:s0] =	ssyncadd.remote.s32 $0x1  }
0xc5: {  	_ =	sfence.sel $0xFFFF  }
0xc6: {  	[dreg:$0x0] =	wrdreg $0xFFFFFFFF;
	(pc) =	sbr.abs _section_cstart, $3  }
0xc7: {  	[dreg:$0x1] =	wrdreg $0xFFFFFFFF  }
0xc8: {  	_ =	task.clear_ibuf [dreg:s8], $0x2FFFF;
	_ =	strace $0x9FFFFFFF  }
0xc9: {  	(tm) =	ssettm $0x7FFFFFFF  }
tec
execute0_lowered:
.L_overlay_start_1:
0x0: {  	(tag) =	ssettag $0x1  }
0x1: {  	s0 =	rddreg [dreg:$0x0]  }
0x2: {  	s1 =	rddreg [dreg:$0x1]  }
0x3: {  	s17 =	rddreg [dreg:$0x2];
	s2 =	simm.s32 $0x0  }
0x4: {  	s3 =	srdreg.scid;
	s4 =	stileid.u32;
	s20 =	simm.s32 $0x1  }
0x5: {  	s21 =	simm.s32 $0x80;
	s22 =	simm.s32 $0x400;
	s29 =	simm.s32 $0x100  }
0x6: {  	s31 =	simm.s32 $0x180;
	[smem:$0x7FF] =	sst s2;
	s5 =	sand.u32 $0x1, s3  }
0x7: {  	s24 =	sshll.u32 s4, $0x1;
	s3 =	sadd.s32 $0x1600, s1;
	s4 =	sadd.s32 $0x21600, s1  }
0x8: {  	s18 =	sadd.s32 $0x41600, s1;
	s19 =	sadd.s32 $0x89600, s1;
	s6 =	sor.u32 s5, s24  }
0x9: {  	_ =	strace $0x80000047;
	s5 =	ssub.s32 $0x2, s5;
	s15 =	sshll.u32 s6, $0xD  }
0xa: {  	s7 =	sshll.u32 s6, $0x7;
	s8 =	sshrl.u32 s5, $0x1;
	s6 =	sshll.u32 s6, $0x6  }
0xb: {  	s7 =	sor.u32 s7, s15;
	s25 =	ssub.s32 s5, s8;
	s5 =	sadd.s32 s0, s6  }
0xc: {  	s8 =	sadd.s32 s17, s15;
	s9 =	sadd.s32 s18, s15;
	s10 =	sadd.s32 s19, s15  }
0xd: {  	s26 =	sor.u32 $0x800, s15;
	s28 =	sor.u32 $0x1000, s15;
	s30 =	sor.u32 $0x1800, s15  }
0xe: {  	s0 =	simm.s32 $0x380;
	s7 =	sand.u32 $0x30380, s7;
	s11 =	sadd.s32 s17, s26  }
0xf: {  	s12 =	sadd.s32 s18, s26;
	s13 =	sadd.s32 s19, s26;
	s14 =	sadd.s32 s17, s28  }
0x10: {  	s15 =	sadd.s32 s18, s28;
	s16 =	sadd.s32 s19, s28;
	s17 =	sadd.s32 s17, s30  }
0x11: {  	s18 =	sadd.s32 s18, s30;
	s19 =	sadd.s32 s19, s30;
	s7 =	sshrl.u32 s7, $0x3  }
0x12: {  	v0 =	vimm.f32 $0.0e+00;
	vm0 =	vcmask $0x300;
	s26 =	simm.s32 $0x8400;
	s1 =	sadd.s32 s7, s1;
	s7 =	smax.u32 s25, $0x1  }
0x13: {  	v1 =	vsel vm0, $0x3F800000, v0;
	s25 =	simm.s32 $0x4400;
	s6 =	sadd.s32 $0x81600, s1;
	s1 =	simm.s32 $0x0  }
.LBB2_1:
0x14: {  	[tilespmem:s2], [sflag:$0x1] =	stream.linear.gather [hbm4b:s5+s2], $0x200, $0x38;
	[tilespmem:$0xE480] =	vst v63  }
0x15: {  	_ =	swait.ge [sflag:s20], $0x200  }
0x16: {  	[sflag:s20] =	ssyncset.done $0x0  }
0x17: {  	s23 =	simm.s32 $0x0;
	[sflag:s20] =	ssyncadd.s32 $0xFFFFFE00  }
0x18: {  	s24 =	simm.s32 $0x40;
	v2 =	vld [tilespmem:s23+$0x0]  }
.LBB2_2:
0x19: {  	p0 =	sne.s32 s24, $0x7C0  }
.Ltmp0:
0x1a: {  	_ = 	snop;
	(pc) =	sbr.rel @p0 .LBB2_2-.Ltmp0, $3  }
0x1b: {  	_ =	sdelay $0x1  }
0x1c: {  	s28 =	sshra.s32 s24, $0x2;
	s24 =	sadd.s32 $0x40, s24;
	v3 =	vadd.s32 $0x1, v2  }
0x1d: {  	v2 =	vld [tilespmem:s28+$0x0];
	[tilespmem:s23+$0x200] =	vst v3;
	s23 =	smov.u32 s28  }
0x1e: {  	_ =	sdelay $0x3  }
0x1f: {  	v2 =	vadd.s32 $0x1, v2  }
0x20: {  	s24 =	simm.s32 $0x0;
	[tilespmem:s23+$0x200] =	vst v2;
	s23 =	simm.s32 $0x40  }
.LBB2_4:
0x21: {  	p0 =	sne.s32 s23, $0x8000;
	[tilespmem:s24+$0xC400] =	vst v0;
	s24 =	smov.u32 s23;
	s23 =	sadd.s32 $0x40, s23  }
.Ltmp1:
0x22: {  	(pc) =	sbr.rel @p0 .LBB2_4-.Ltmp1, $2  }
0x23: {  	_ =	sdelay $0x2  }
0x24: {  	s24 =	sshra.s32 s24, $0x2  }
0x25: {  	[tilespmem:s24+$0xC400] =	vst v0;
	s23 =	simm.s32 $0x0  }
0x26: {  	v2 =	vld [tilespmem:s23+$0x0];
	_ =	sdelay $0x4  }
0x27: {  	v2 =	vadd.s32 $0xC400, v2  }
0x28: {  	(v2sf) =	vpush v2, $0x0;
	_ =	sdelay $0x7  }
0x29: {  	(v2sf) =	vpush v2, $0x1;
	_ =	sdelay $0x6  }
0x2a: {  	s30 =	spop (v2sf)  }
0x2b: {  	(v2sf) =	vpush v2, $0x2;
	v3 =	vld [tilespmem:s30+$0x0];
	_ =	sdelay $0x4  }
0x2c: {  	v3 =	vadd.f32 v1, v3;
	_ =	sdelay $0x1  }
0x2d: {  	s24 =	spop (v2sf);
	[tilespmem:s30+$0x0] =	vst v3  }
0x2e: {  	(v2sf) =	vpush v2, $0x3;
	v3 =	vld [tilespmem:s24+$0x0];
	_ =	sdelay $0x4  }
0x2f: {  	v3 =	vadd.f32 v1, v3;
	_ =	sdelay $0x1  }
0x30: {  	s30 =	spop (v2sf);
	[tilespmem:s24+$0x0] =	vst v3  }
0x31: {  	(v2sf) =	vpush v2, $0x4;
	v3 =	vld [tilespmem:s30+$0x0];
	_ =	sdelay $0x4  }
0x32: {  	v3 =	vadd.f32 v1, v3;
	_ =	sdelay $0x1  }
0x33: {  	s24 =	spop (v2sf);
	[tilespmem:s30+$0x0] =	vst v3  }
0x34: {  	(v2sf) =	vpush v2, $0x5;
	v3 =	vld [tilespmem:s24+$0x0];
	_ =	sdelay $0x4  }
0x35: {  	v3 =	vadd.f32 v1, v3;
	_ =	sdelay $0x1  }
0x36: {  	s30 =	spop (v2sf);
	[tilespmem:s24+$0x0] =	vst v3  }
0x37: {  	(v2sf) =	vpush v2, $0x6;
	v3 =	vld [tilespmem:s30+$0x0];
	_ =	sdelay $0x4  }
0x38: {  	v3 =	vadd.f32 v1, v3;
	_ =	sdelay $0x1  }
0x39: {  	s24 =	spop (v2sf);
	[tilespmem:s30+$0x0] =	vst v3  }
0x3a: {  	(v2sf) =	vpush v2, $0x7;
	v3 =	vld [tilespmem:s24+$0x0];
	_ =	sdelay $0x4  }
0x3b: {  	v3 =	vadd.f32 v1, v3;
	_ =	sdelay $0x1  }
0x3c: {  	s30 =	spop (v2sf);
	[tilespmem:s24+$0x0] =	vst v3  }
0x3d: {  	(v2sf) =	vpush v2, $0x8;
	v3 =	vld [tilespmem:s30+$0x0];
	_ =	sdelay $0x4  }
0x3e: {  	v3 =	vadd.f32 v1, v3;
	_ =	sdelay $0x1  }
0x3f: {  	s24 =	spop (v2sf);
	[tilespmem:s30+$0x0] =	vst v3  }
0x40: {  	(v2sf) =	vpush v2, $0x9;
	v3 =	vld [tilespmem:s24+$0x0];
	_ =	sdelay $0x4  }
0x41: {  	v3 =	vadd.f32 v1, v3;
	_ =	sdelay $0x1  }
0x42: {  	s30 =	spop (v2sf);
	[tilespmem:s24+$0x0] =	vst v3  }
0x43: {  	(v2sf) =	vpush v2, $0xA;
	v3 =	vld [tilespmem:s30+$0x0];
	_ =	sdelay $0x4  }
0x44: {  	v3 =	vadd.f32 v1, v3;
	_ =	sdelay $0x1  }
0x45: {  	s24 =	spop (v2sf);
	[tilespmem:s30+$0x0] =	vst v3  }
0x46: {  	(v2sf) =	vpush v2, $0xB;
	v3 =	vld [tilespmem:s24+$0x0];
	_ =	sdelay $0x4  }
0x47: {  	v3 =	vadd.f32 v1, v3;
	_ =	sdelay $0x1  }
0x48: {  	s30 =	spop (v2sf);
	[tilespmem:s24+$0x0] =	vst v3  }
0x49: {  	(v2sf) =	vpush v2, $0xC;
	v3 =	vld [tilespmem:s30+$0x0];
	_ =	sdelay $0x4  }
0x4a: {  	v3 =	vadd.f32 v1, v3;
	_ =	sdelay $0x1  }
0x4b: {  	s24 =	spop (v2sf);
	[tilespmem:s30+$0x0] =	vst v3  }
0x4c: {  	(v2sf) =	vpush v2, $0xD;
	v3 =	vld [tilespmem:s24+$0x0];
	_ =	sdelay $0x4  }
0x4d: {  	v3 =	vadd.f32 v1, v3;
	_ =	sdelay $0x1  }
0x4e: {  	s30 =	spop (v2sf);
	[tilespmem:s24+$0x0] =	vst v3  }
0x4f: {  	(v2sf) =	vpush v2, $0xE;
	v3 =	vld [tilespmem:s30+$0x0];
	_ =	sdelay $0x4  }
0x50: {  	v3 =	vadd.f32 v1, v3;
	_ =	sdelay $0x1  }
0x51: {  	s24 =	spop (v2sf);
	[tilespmem:s30+$0x0] =	vst v3  }
0x52: {  	(v2sf) =	vpush v2, $0xF;
	v3 =	vld [tilespmem:s24+$0x0];
	_ =	sdelay $0x4  }
0x53: {  	v2 =	vadd.f32 v1, v3;
	_ =	sdelay $0x1  }
0x54: {  	s30 =	spop (v2sf);
	[tilespmem:s24+$0x0] =	vst v2  }
0x55: {  	v2 =	vld [tilespmem:s30+$0x0];
	_ =	sdelay $0x4  }
0x56: {  	v2 =	vadd.f32 v1, v2;
	_ =	sdelay $0x1  }
0x57: {  	s28 =	spop (v2sf);
	[tilespmem:s30+$0x0] =	vst v2  }
0x58: {  	v2 =	vld [tilespmem:s28+$0x0];
	_ =	sdelay $0x4  }
0x59: {  	s23 =	simm.s32 $0x40;
	s24 =	simm.s32 $0x80;
	v2 =	vadd.f32 v1, v2  }
.LBB2_6:
0x5a: {  	p0 =	sne.s32 s24, $0x7C0  }
0x5b: {  	s30 =	sshra.s32 s23, $0x2;
	s23 =	smov.u32 s24;
	s24 =	sadd.s32 $0x40, s24;
	[tilespmem:s28+$0x0] =	vst v2  }
0x5c: {  	v2 =	vld [tilespmem:s30+$0x0];
	_ =	sdelay $0x4  }
0x5d: {  	v2 =	vadd.s32 $0xC400, v2  }
0x5e: {  	(v2sf) =	vpush v2, $0x0;
	_ =	sdelay $0x7  }
0x5f: {  	(v2sf) =	vpush v2, $0x1;
	_ =	sdelay $0x6  }
0x60: {  	s28 =	spop (v2sf)  }
0x61: {  	v3 =	vld [tilespmem:s28+$0x0];
	(v2sf) =	vpush v2, $0x2;
	_ =	sdelay $0x4  }
0x62: {  	v3 =	vadd.f32 v1, v3;
	_ =	sdelay $0x1  }
0x63: {  	[tilespmem:s28+$0x0] =	vst v3;
	s28 =	spop (v2sf)  }
0x64: {  	v3 =	vld [tilespmem:s28+$0x0];
	(v2sf) =	vpush v2, $0x3;
	_ =	sdelay $0x4  }
0x65: {  	v3 =	vadd.f32 v1, v3;
	_ =	sdelay $0x1  }
0x66: {  	[tilespmem:s28+$0x0] =	vst v3;
	s28 =	spop (v2sf)  }
0x67: {  	v3 =	vld [tilespmem:s28+$0x0];
	(v2sf) =	vpush v2, $0x4;
	_ =	sdelay $0x4  }
0x68: {  	v3 =	vadd.f32 v1, v3;
	_ =	sdelay $0x1  }
0x69: {  	[tilespmem:s28+$0x0] =	vst v3;
	s28 =	spop (v2sf)  }
0x6a: {  	v3 =	vld [tilespmem:s28+$0x0];
	(v2sf) =	vpush v2, $0x5;
	_ =	sdelay $0x4  }
0x6b: {  	v3 =	vadd.f32 v1, v3;
	_ =	sdelay $0x1  }
0x6c: {  	[tilespmem:s28+$0x0] =	vst v3;
	s28 =	spop (v2sf)  }
0x6d: {  	v3 =	vld [tilespmem:s28+$0x0];
	(v2sf) =	vpush v2, $0x6;
	_ =	sdelay $0x4  }
0x6e: {  	v3 =	vadd.f32 v1, v3;
	_ =	sdelay $0x1  }
0x6f: {  	[tilespmem:s28+$0x0] =	vst v3;
	s28 =	spop (v2sf)  }
0x70: {  	v3 =	vld [tilespmem:s28+$0x0];
	(v2sf) =	vpush v2, $0x7;
	_ =	sdelay $0x4  }
0x71: {  	v3 =	vadd.f32 v1, v3;
	_ =	sdelay $0x1  }
0x72: {  	[tilespmem:s28+$0x0] =	vst v3;
	s28 =	spop (v2sf)  }
0x73: {  	v3 =	vld [tilespmem:s28+$0x0];
	(v2sf) =	vpush v2, $0x8;
	_ =	sdelay $0x4  }
0x74: {  	v3 =	vadd.f32 v1, v3;
	_ =	sdelay $0x1  }
0x75: {  	[tilespmem:s28+$0x0] =	vst v3;
	s28 =	spop (v2sf)  }
0x76: {  	v3 =	vld [tilespmem:s28+$0x0];
	(v2sf) =	vpush v2, $0x9;
	_ =	sdelay $0x4  }
0x77: {  	v3 =	vadd.f32 v1, v3;
	_ =	sdelay $0x1  }
0x78: {  	[tilespmem:s28+$0x0] =	vst v3;
	s28 =	spop (v2sf)  }
0x79: {  	v3 =	vld [tilespmem:s28+$0x0];
	(v2sf) =	vpush v2, $0xA;
	_ =	sdelay $0x4  }
0x7a: {  	v3 =	vadd.f32 v1, v3;
	_ =	sdelay $0x1  }
0x7b: {  	[tilespmem:s28+$0x0] =	vst v3;
	s28 =	spop (v2sf)  }
0x7c: {  	v3 =	vld [tilespmem:s28+$0x0];
	(v2sf) =	vpush v2, $0xB;
	_ =	sdelay $0x4  }
0x7d: {  	v3 =	vadd.f32 v1, v3;
	_ =	sdelay $0x1  }
0x7e: {  	[tilespmem:s28+$0x0] =	vst v3;
	s28 =	spop (v2sf)  }
0x7f: {  	v3 =	vld [tilespmem:s28+$0x0];
	(v2sf) =	vpush v2, $0xC;
	_ =	sdelay $0x4  }
0x80: {  	v3 =	vadd.f32 v1, v3;
	_ =	sdelay $0x1  }
0x81: {  	[tilespmem:s28+$0x0] =	vst v3;
	s28 =	spop (v2sf)  }
0x82: {  	v3 =	vld [tilespmem:s28+$0x0];
	(v2sf) =	vpush v2, $0xD;
	_ =	sdelay $0x4  }
0x83: {  	v3 =	vadd.f32 v1, v3;
	_ =	sdelay $0x1  }
0x84: {  	[tilespmem:s28+$0x0] =	vst v3;
	s28 =	spop (v2sf)  }
0x85: {  	v3 =	vld [tilespmem:s28+$0x0];
	(v2sf) =	vpush v2, $0xE;
	_ =	sdelay $0x4  }
0x86: {  	v3 =	vadd.f32 v1, v3;
	_ =	sdelay $0x1  }
0x87: {  	[tilespmem:s28+$0x0] =	vst v3;
	s28 =	spop (v2sf)  }
0x88: {  	v3 =	vld [tilespmem:s28+$0x0];
	(v2sf) =	vpush v2, $0xF;
	_ =	sdelay $0x4  }
0x89: {  	v2 =	vadd.f32 v1, v3;
	_ =	sdelay $0x1  }
0x8a: {  	[tilespmem:s28+$0x0] =	vst v2;
	s28 =	spop (v2sf)  }
0x8b: {  	v2 =	vld [tilespmem:s28+$0x0];
	_ =	sdelay $0x4  }
0x8c: {  	v2 =	vadd.f32 v1, v2;
	_ =	sdelay $0x1  }
0x8d: {  	[tilespmem:s28+$0x0] =	vst v2;
	s28 =	spop (v2sf)  }
0x8e: {  	v2 =	vld [tilespmem:s28+$0x0]  }
.Ltmp2:
0x8f: {  	(pc) =	sbr.rel @p0 .LBB2_6-.Ltmp2, $2  }
0x90: {  	_ =	sdelay $0x2  }
0x91: {  	v2 =	vadd.f32 v1, v2  }
0x92: {  	_ = 	snop  }
0x93: {  	s23 =	sshra.s32 s23, $0x2;
	[tilespmem:s28+$0x0] =	vst v2  }
0x94: {  	v2 =	vld [tilespmem:s23+$0x0];
	_ =	sdelay $0x4  }
0x95: {  	v2 =	vadd.s32 $0xC400, v2  }
0x96: {  	(v2sf) =	vpush v2, $0x0;
	_ =	sdelay $0x7  }
0x97: {  	(v2sf) =	vpush v2, $0x1;
	_ =	sdelay $0x6  }
0x98: {  	s28 =	spop (v2sf)  }
0x99: {  	(v2sf) =	vpush v2, $0x2;
	v3 =	vld [tilespmem:s28+$0x0];
	_ =	sdelay $0x4  }
0x9a: {  	v3 =	vadd.f32 v1, v3;
	_ =	sdelay $0x1  }
0x9b: {  	s30 =	spop (v2sf);
	[tilespmem:s28+$0x0] =	vst v3  }
0x9c: {  	(v2sf) =	vpush v2, $0x3;
	v3 =	vld [tilespmem:s30+$0x0];
	_ =	sdelay $0x4  }
0x9d: {  	v3 =	vadd.f32 v1, v3;
	_ =	sdelay $0x1  }
0x9e: {  	s24 =	spop (v2sf);
	[tilespmem:s30+$0x0] =	vst v3  }
0x9f: {  	(v2sf) =	vpush v2, $0x4;
	v3 =	vld [tilespmem:s24+$0x0];
	_ =	sdelay $0x4  }
0xa0: {  	v3 =	vadd.f32 v1, v3;
	_ =	sdelay $0x1  }
0xa1: {  	s28 =	spop (v2sf);
	[tilespmem:s24+$0x0] =	vst v3  }
0xa2: {  	(v2sf) =	vpush v2, $0x5;
	v3 =	vld [tilespmem:s28+$0x0];
	_ =	sdelay $0x4  }
0xa3: {  	v3 =	vadd.f32 v1, v3;
	_ =	sdelay $0x1  }
0xa4: {  	s30 =	spop (v2sf);
	[tilespmem:s28+$0x0] =	vst v3  }
0xa5: {  	(v2sf) =	vpush v2, $0x6;
	v3 =	vld [tilespmem:s30+$0x0];
	_ =	sdelay $0x4  }
0xa6: {  	v3 =	vadd.f32 v1, v3;
	_ =	sdelay $0x1  }
0xa7: {  	s24 =	spop (v2sf);
	[tilespmem:s30+$0x0] =	vst v3  }
0xa8: {  	(v2sf) =	vpush v2, $0x7;
	v3 =	vld [tilespmem:s24+$0x0];
	_ =	sdelay $0x4  }
0xa9: {  	v3 =	vadd.f32 v1, v3;
	_ =	sdelay $0x1  }
0xaa: {  	s28 =	spop (v2sf);
	[tilespmem:s24+$0x0] =	vst v3  }
0xab: {  	(v2sf) =	vpush v2, $0x8;
	v3 =	vld [tilespmem:s28+$0x0];
	_ =	sdelay $0x4  }
0xac: {  	v3 =	vadd.f32 v1, v3;
	_ =	sdelay $0x1  }
0xad: {  	s30 =	spop (v2sf);
	[tilespmem:s28+$0x0] =	vst v3  }
0xae: {  	(v2sf) =	vpush v2, $0x9;
	v3 =	vld [tilespmem:s30+$0x0];
	_ =	sdelay $0x4  }
0xaf: {  	v3 =	vadd.f32 v1, v3;
	_ =	sdelay $0x1  }
0xb0: {  	s24 =	spop (v2sf);
	[tilespmem:s30+$0x0] =	vst v3  }
0xb1: {  	(v2sf) =	vpush v2, $0xA;
	v3 =	vld [tilespmem:s24+$0x0];
	_ =	sdelay $0x4  }
0xb2: {  	v3 =	vadd.f32 v1, v3;
	_ =	sdelay $0x1  }
0xb3: {  	s28 =	spop (v2sf);
	[tilespmem:s24+$0x0] =	vst v3  }
0xb4: {  	(v2sf) =	vpush v2, $0xB;
	v3 =	vld [tilespmem:s28+$0x0];
	_ =	sdelay $0x4  }
0xb5: {  	v3 =	vadd.f32 v1, v3;
	_ =	sdelay $0x1  }
0xb6: {  	s30 =	spop (v2sf);
	[tilespmem:s28+$0x0] =	vst v3  }
0xb7: {  	(v2sf) =	vpush v2, $0xC;
	v3 =	vld [tilespmem:s30+$0x0];
	_ =	sdelay $0x4  }
0xb8: {  	v3 =	vadd.f32 v1, v3;
	_ =	sdelay $0x1  }
0xb9: {  	s24 =	spop (v2sf);
	[tilespmem:s30+$0x0] =	vst v3  }
0xba: {  	(v2sf) =	vpush v2, $0xD;
	v3 =	vld [tilespmem:s24+$0x0];
	_ =	sdelay $0x4  }
0xbb: {  	v3 =	vadd.f32 v1, v3;
	_ =	sdelay $0x1  }
0xbc: {  	s28 =	spop (v2sf);
	[tilespmem:s24+$0x0] =	vst v3  }
0xbd: {  	(v2sf) =	vpush v2, $0xE;
	v3 =	vld [tilespmem:s28+$0x0];
	_ =	sdelay $0x4  }
0xbe: {  	v3 =	vadd.f32 v1, v3;
	_ =	sdelay $0x1  }
0xbf: {  	s30 =	spop (v2sf);
	[tilespmem:s28+$0x0] =	vst v3  }
0xc0: {  	(v2sf) =	vpush v2, $0xF;
	v3 =	vld [tilespmem:s30+$0x0];
	_ =	sdelay $0x4  }
0xc1: {  	v2 =	vadd.f32 v1, v3;
	_ =	sdelay $0x1  }
0xc2: {  	s24 =	spop (v2sf);
	[tilespmem:s30+$0x0] =	vst v2  }
0xc3: {  	v2 =	vld [tilespmem:s24+$0x0];
	_ =	sdelay $0x4  }
0xc4: {  	v2 =	vadd.f32 v1, v2;
	_ =	sdelay $0x1  }
0xc5: {  	s28 =	spop (v2sf);
	[tilespmem:s24+$0x0] =	vst v2  }
0xc6: {  	v2 =	vld [tilespmem:s28+$0x0];
	_ =	sdelay $0x4  }
0xc7: {  	v2 =	vadd.f32 v1, v2;
	_ =	sdelay $0x1  }
0xc8: {  	s30 =	simm.s32 $0xC400;
	[tilespmem:s28+$0x0] =	vst v2  }
0xc9: {  	[hbm4b:s6+s21] =	stream.strided.scatter [tilespmem:s30], [sflag:$0x1], $0x2000, s22, s21, $0x38;
	[tilespmem:$0xE480] =	vst v63  }
0xca: {  	_ =	swait.ge [sflag:s20], $0x2000  }
0xcb: {  	[sflag:s20] =	ssyncset.done $0x0  }
0xcc: {  	[sflag:s20] =	ssyncadd.s32 $0xFFFFE000  }
0xcd: {  	[tilespmem:s22], [sflag:$0x1] =	stream.indirect.gather [hbm4b:s3+s21], $0x80, s2, s21, $0xb8;
	[tilespmem:$0xE480] =	vst v63  }
0xce: {  	_ =	swait.ge [sflag:s20], $0x4000  }
0xcf: {  	[sflag:s20] =	ssyncset.done $0x0  }
0xd0: {  	[sflag:s20] =	ssyncadd.s32 $0xFFFFC000  }
0xd1: {  	[hbm4b:s8+s2] =	stream.linear.scatter [tilespmem:s22], [sflag:$0x1], $0x4000, $0x38;
	[tilespmem:$0xE480] =	vst v63  }
0xd2: {  	_ =	swait.ge [sflag:s20], $0x4000  }
0xd3: {  	[sflag:s20] =	ssyncset.done $0x0  }
0xd4: {  	s24 =	simm.s32 $0x200;
	[sflag:s20] =	ssyncadd.s32 $0xFFFFC000  }
0xd5: {  	[tilespmem:s25], [sflag:$0x1] =	stream.indirect.gather [hbm4b:s3+s21], $0x80, s24, s21, $0xb8;
	[tilespmem:$0xE480] =	vst v63  }
0xd6: {  	_ =	swait.ge [sflag:s20], $0x4000  }
0xd7: {  	[sflag:s20] =	ssyncset.done $0x0  }
0xd8: {  	[sflag:s20] =	ssyncadd.s32 $0xFFFFC000  }
0xd9: {  	[hbm4b:s9+s2] =	stream.linear.scatter [tilespmem:s25], [sflag:$0x1], $0x4000, $0x38;
	[tilespmem:$0xE480] =	vst v63  }
0xda: {  	_ =	swait.ge [sflag:s20], $0x4000  }
0xdb: {  	[sflag:s20] =	ssyncset.done $0x0  }
0xdc: {  	[sflag:s20] =	ssyncadd.s32 $0xFFFFC000  }
0xdd: {  	[tilespmem:s26], [sflag:$0x1] =	stream.indirect.gather [hbm4b:s4+s21], $0x80, s2, s21, $0xb8;
	[tilespmem:$0xE480] =	vst v63  }
0xde: {  	_ =	swait.ge [sflag:s20], $0x4000  }
0xdf: {  	[sflag:s20] =	ssyncset.done $0x0  }
0xe0: {  	[sflag:s20] =	ssyncadd.s32 $0xFFFFC000  }
0xe1: {  	[hbm4b:s10+s2] =	stream.linear.scatter [tilespmem:s26], [sflag:$0x1], $0x4000, $0x38;
	[tilespmem:$0xE480] =	vst v63  }
0xe2: {  	_ =	swait.ge [sflag:s20], $0x4000  }
0xe3: {  	[sflag:s20] =	ssyncset.done $0x0  }
0xe4: {  	[sflag:s20] =	ssyncadd.s32 $0xFFFFC000  }
0xe5: {  	[tilespmem:s22], [sflag:$0x1] =	stream.indirect.gather [hbm4b:s3+s21], $0x80, s21, s21, $0xb8;
	[tilespmem:$0xE480] =	vst v63  }
0xe6: {  	_ =	swait.ge [sflag:s20], $0x4000  }
0xe7: {  	[sflag:s20] =	ssyncset.done $0x0  }
0xe8: {  	[sflag:s20] =	ssyncadd.s32 $0xFFFFC000  }
0xe9: {  	[hbm4b:s11+s2] =	stream.linear.scatter [tilespmem:s22], [sflag:$0x1], $0x4000, $0x38;
	[tilespmem:$0xE480] =	vst v63  }
0xea: {  	_ =	swait.ge [sflag:s20], $0x4000  }
0xeb: {  	[sflag:s20] =	ssyncset.done $0x0  }
0xec: {  	s28 =	simm.s32 $0x280;
	[sflag:s20] =	ssyncadd.s32 $0xFFFFC000  }
0xed: {  	[tilespmem:s25], [sflag:$0x1] =	stream.indirect.gather [hbm4b:s3+s21], $0x80, s28, s21, $0xb8;
	[tilespmem:$0xE480] =	vst v63  }
0xee: {  	_ =	swait.ge [sflag:s20], $0x4000  }
0xef: {  	[sflag:s20] =	ssyncset.done $0x0  }
0xf0: {  	[sflag:s20] =	ssyncadd.s32 $0xFFFFC000  }
0xf1: {  	[hbm4b:s12+s2] =	stream.linear.scatter [tilespmem:s25], [sflag:$0x1], $0x4000, $0x38;
	[tilespmem:$0xE480] =	vst v63  }
0xf2: {  	_ =	swait.ge [sflag:s20], $0x4000  }
0xf3: {  	[sflag:s20] =	ssyncset.done $0x0  }
0xf4: {  	[sflag:s20] =	ssyncadd.s32 $0xFFFFC000  }
0xf5: {  	[tilespmem:s26], [sflag:$0x1] =	stream.indirect.gather [hbm4b:s4+s21], $0x80, s21, s21, $0xb8;
	[tilespmem:$0xE480] =	vst v63  }
0xf6: {  	_ =	swait.ge [sflag:s20], $0x4000  }
0xf7: {  	[sflag:s20] =	ssyncset.done $0x0  }
0xf8: {  	[sflag:s20] =	ssyncadd.s32 $0xFFFFC000  }
0xf9: {  	[hbm4b:s13+s2] =	stream.linear.scatter [tilespmem:s26], [sflag:$0x1], $0x4000, $0x38;
	[tilespmem:$0xE480] =	vst v63  }
0xfa: {  	_ =	swait.ge [sflag:s20], $0x4000  }
0xfb: {  	[sflag:s20] =	ssyncset.done $0x0  }
0xfc: {  	[sflag:s20] =	ssyncadd.s32 $0xFFFFC000  }
0xfd: {  	[tilespmem:s22], [sflag:$0x1] =	stream.indirect.gather [hbm4b:s3+s21], $0x80, s29, s21, $0xb8;
	[tilespmem:$0xE480] =	vst v63  }
0xfe: {  	_ =	swait.ge [sflag:s20], $0x4000  }
0xff: {  	[sflag:s20] =	ssyncset.done $0x0  }
0x100: {  	[sflag:s20] =	ssyncadd.s32 $0xFFFFC000  }
0x101: {  	[hbm4b:s14+s2] =	stream.linear.scatter [tilespmem:s22], [sflag:$0x1], $0x4000, $0x38;
	[tilespmem:$0xE480] =	vst v63  }
0x102: {  	_ =	swait.ge [sflag:s20], $0x4000  }
0x103: {  	[sflag:s20] =	ssyncset.done $0x0  }
0x104: {  	s30 =	simm.s32 $0x300;
	[sflag:s20] =	ssyncadd.s32 $0xFFFFC000  }
0x105: {  	[tilespmem:s25], [sflag:$0x1] =	stream.indirect.gather [hbm4b:s3+s21], $0x80, s30, s21, $0xb8;
	[tilespmem:$0xE480] =	vst v63  }
0x106: {  	_ =	swait.ge [sflag:s20], $0x4000  }
0x107: {  	[sflag:s20] =	ssyncset.done $0x0  }
0x108: {  	[sflag:s20] =	ssyncadd.s32 $0xFFFFC000  }
0x109: {  	[hbm4b:s15+s2] =	stream.linear.scatter [tilespmem:s25], [sflag:$0x1], $0x4000, $0x38;
	[tilespmem:$0xE480] =	vst v63  }
0x10a: {  	_ =	swait.ge [sflag:s20], $0x4000  }
0x10b: {  	[sflag:s20] =	ssyncset.done $0x0  }
0x10c: {  	[sflag:s20] =	ssyncadd.s32 $0xFFFFC000  }
0x10d: {  	[tilespmem:s26], [sflag:$0x1] =	stream.indirect.gather [hbm4b:s4+s21], $0x80, s29, s21, $0xb8;
	[tilespmem:$0xE480] =	vst v63  }
0x10e: {  	_ =	swait.ge [sflag:s20], $0x4000  }
0x10f: {  	[sflag:s20] =	ssyncset.done $0x0  }
0x110: {  	[sflag:s20] =	ssyncadd.s32 $0xFFFFC000  }
0x111: {  	[hbm4b:s16+s2] =	stream.linear.scatter [tilespmem:s26], [sflag:$0x1], $0x4000, $0x38;
	[tilespmem:$0xE480] =	vst v63  }
0x112: {  	_ =	swait.ge [sflag:s20], $0x4000  }
0x113: {  	[sflag:s20] =	ssyncset.done $0x0  }
0x114: {  	[sflag:s20] =	ssyncadd.s32 $0xFFFFC000  }
0x115: {  	[tilespmem:s22], [sflag:$0x1] =	stream.indirect.gather [hbm4b:s3+s21], $0x80, s31, s21, $0xb8;
	[tilespmem:$0xE480] =	vst v63  }
0x116: {  	_ =	swait.ge [sflag:s20], $0x4000  }
0x117: {  	[sflag:s20] =	ssyncset.done $0x0  }
0x118: {  	[sflag:s20] =	ssyncadd.s32 $0xFFFFC000  }
0x119: {  	[hbm4b:s17+s2] =	stream.linear.scatter [tilespmem:s22], [sflag:$0x1], $0x4000, $0x38;
	[tilespmem:$0xE480] =	vst v63  }
0x11a: {  	_ =	swait.ge [sflag:s20], $0x4000  }
0x11b: {  	[sflag:s20] =	ssyncset.done $0x0  }
0x11c: {  	[sflag:s20] =	ssyncadd.s32 $0xFFFFC000  }
0x11d: {  	[tilespmem:s25], [sflag:$0x1] =	stream.indirect.gather [hbm4b:s3+s21], $0x80, s0, s21, $0xb8;
	[tilespmem:$0xE480] =	vst v63  }
0x11e: {  	_ =	swait.ge [sflag:s20], $0x4000  }
0x11f: {  	[sflag:s20] =	ssyncset.done $0x0  }
0x120: {  	[sflag:s20] =	ssyncadd.s32 $0xFFFFC000  }
0x121: {  	[hbm4b:s18+s2] =	stream.linear.scatter [tilespmem:s25], [sflag:$0x1], $0x4000, $0x38;
	[tilespmem:$0xE480] =	vst v63  }
0x122: {  	_ =	swait.ge [sflag:s20], $0x4000  }
0x123: {  	[sflag:s20] =	ssyncset.done $0x0  }
0x124: {  	[sflag:s20] =	ssyncadd.s32 $0xFFFFC000  }
0x125: {  	[tilespmem:s26], [sflag:$0x1] =	stream.indirect.gather [hbm4b:s4+s21], $0x80, s31, s21, $0xb8;
	[tilespmem:$0xE480] =	vst v63  }
0x126: {  	s1 =	sadd.s32 $0x1, s1;
	_ =	swait.ge [sflag:s20], $0x4000  }
0x127: {  	p0 =	sne.s32 s1, s7;
	[sflag:s20] =	ssyncset.done $0x0  }
.Ltmp3:
0x128: {  	[sflag:s20] =	ssyncadd.s32 $0xFFFFC000;
	(pc) =	sbr.rel @p0 .LBB2_1-.Ltmp3, $4  }
0x129: {  	[hbm4b:s19+s2] =	stream.linear.scatter [tilespmem:s26], [sflag:$0x1], $0x4000, $0x38;
	[tilespmem:$0xE480] =	vst v63  }
0x12a: {  	_ =	swait.ge [sflag:s20], $0x4000  }
0x12b: {  	[sflag:s20] =	ssyncset.done $0x0  }
0x12c: {  	[sflag:s20] =	ssyncadd.s32 $0xFFFFC000  }
0x12d: {  	_ =	sfence.sel $0x180000  }
0x12e: {  	[bflag:$0x0] =	sbarrier.arrive $0xFFFF  }
0x12f: {  	_ =	strace $0x90000047  }
0x130: {  	s0 =	stileid.u32;
	[bflag:$0x2] =	sbarrier.arrive $0xFFFF  }
0x131: {  	p0 =	sne.s32 s0, $0x0;
	s0 =	rddreg [dreg:$0x3]  }
0x132: {  	s0 =	sadd.s32 @!p0 $0x100000, s0  }
0x133: {  	[sflag:s0] =	ssyncadd.tile.s32 @!p0 $0x1;
	_ =	shalt  }
.Lfunc_end2:
_tile_overlayer_lowered:
.L_overlay_start_2:
0x134: {  	(tag) =	ssettag $0x2  }
0x135: {  	s0 =	rddreg [dreg:$0x0];
	s2 =	stileid.u32  }
0x136: {  	s1 =	rddreg [dreg:$0x1];
	p0 =	sne.s32 s2, $0x0  }
0x137: {  	s3 =	rddreg [dreg:$0x2];
	[bflag:$0x3] =	sbarrier.arrive $0xFFFF;
	s2 =	simm.s32 @!p0 $0x1C01  }
0x138: {  	[timem:s3], [sflag:s2] =	dma.local @!p0 [hbm:s0], s1  }
0x139: {  	s0 =	simm.s32 @!p0 $0x1  }
0x13a: {  	_ =	swait.ge @!p0 [sflag:s0], s1  }
0x13b: {  	s1 =	ssub.s32 @!p0 $0x0, s1;
	[sflag:s0] =	ssyncset.done @!p0 $0x0  }
0x13c: {  	[sflag:s0] =	ssyncadd.s32 @!p0 s1  }
0x13d: {  	[bflag:$0x3] =	sbarrier.arrive $0xFFFF  }
0x13e: {  	_ =	shalt  }

</sc_bundles>
